<compile_context>
chip_gen: v7x
topology: tpu7x:2x2x1
jax: 0.10.2.dev20260603
libtpu: 0.0.44.dev20260713+nightly
codegen_flags: <defaults>
</compile_context>

<pallas_src>
import functools

import jax
import jax.numpy as jnp
from jax import lax
from jax.experimental import pallas as pl
from jax.experimental.pallas import tpu as pltpu
from jax.experimental.pallas import tpu_sc as plsc

NUM_NODES = 4096
NUM_EDGES = 65536
L = 16
NC, NS = 2, 16
NW = NC * NS
E_HIST = NUM_EDGES // NS
E_GATH = NUM_EDGES // NW
NODES_PER_TILE = NUM_NODES // NS

_mesh = plsc.VectorSubcoreMesh(core_axis_name="c", subcore_axis_name="s")


def _rsqrt16(x):
    i = plsc.bitcast(x, jnp.int32)
    i = 0x5F3759DF - lax.shift_right_logical(i, 1)
    y = plsc.bitcast(i, jnp.float32)
    for _ in range(3):
        y = y * (1.5 - 0.5 * x * y * y)
    return jnp.where(x > 0.5, y, 0.0)


@functools.partial(
    pl.kernel,
    out_type=jax.ShapeDtypeStruct((NUM_EDGES,), jnp.float32),
    mesh=_mesh,
    compiler_params=pltpu.CompilerParams(needs_layout_passes=False),
    scratch_types=[
        pltpu.VMEM((E_HIST,), jnp.int32),
        pltpu.VMEM((NUM_NODES,), jnp.float32),
        pltpu.VMEM((NS, NODES_PER_TILE), jnp.float32),
        pltpu.VMEM((NODES_PER_TILE,), jnp.float32),
        pltpu.VMEM((NUM_NODES,), jnp.float32),
        pltpu.VMEM((E_GATH,), jnp.int32),
        pltpu.VMEM((E_GATH,), jnp.float32),
        pltpu.VMEM_SHARED((NS, NUM_NODES), jnp.float32),
        pltpu.VMEM_SHARED((NUM_NODES,), jnp.float32),
        pltpu.SemaphoreType.DMA,
        pltpu.SemaphoreType.DMA,
    ],
)
def _gcn_norm(ei_hbm, out_hbm, col_v, hist_v, part_v, dslice_v,
              table_v, rowi_v, outb_v, stage_sh, dinv_sh, sem_c, sem_r):
    c = lax.axis_index("c")
    s = lax.axis_index("s")
    w = s * NC + c
    base_e = w * E_GATH

    cp_col = pltpu.async_copy(ei_hbm.at[1, pl.ds(s * E_HIST, E_HIST)], col_v,
                              sem_c)
    cp_row = pltpu.async_copy(ei_hbm.at[0, pl.ds(base_e, E_GATH)], rowi_v,
                              sem_r)

    @plsc.parallel_loop(0, NUM_NODES // L, unroll=16)
    def zero_body(i):
        hist_v[pl.ds(i * L, L)] = jnp.zeros((L,), jnp.float32)

    cp_col.wait()
    ones = jnp.ones((L,), jnp.float32)

    @plsc.parallel_loop(0, E_HIST // L, unroll=16)
    def hist_body(i):
        idx = col_v[pl.ds(i * L, L)]
        plsc.addupdate_scatter(hist_v, [idx], ones)

    pltpu.sync_copy(hist_v, stage_sh.at[s])
    plsc.subcore_barrier()
    base_n = s * NODES_PER_TILE
    pltpu.sync_copy(stage_sh.at[:, pl.ds(base_n, NODES_PER_TILE)], part_v)

    @plsc.parallel_loop(0, NODES_PER_TILE // L, unroll=2)
    def red_body(j):
        acc = jnp.zeros((L,), jnp.float32)
        for k in range(NS):
            acc = acc + part_v[k, pl.ds(j * L, L)]
        dslice_v[pl.ds(j * L, L)] = _rsqrt16(acc)

    pltpu.sync_copy(dslice_v, dinv_sh.at[pl.ds(base_n, NODES_PER_TILE)])
    plsc.subcore_barrier()
    pltpu.sync_copy(dinv_sh, table_v)

    cp_row.wait()
    col_off = c * E_GATH

    @plsc.parallel_loop(0, E_GATH // L, unroll=16)
    def gath_body(i):
        r = rowi_v[pl.ds(i * L, L)]
        q = col_v[pl.ds(col_off + i * L, L)]
        a = plsc.load_gather(table_v, [r])
        b = plsc.load_gather(table_v, [q])
        outb_v[pl.ds(i * L, L)] = a * b
    pltpu.sync_copy(outb_v, out_hbm.at[pl.ds(base_e, E_GATH)])


def kernel(edge_index):
    ei = edge_index
    if ei.dtype != jnp.int32:
        ei = ei.astype(jnp.int32)
    return _gcn_norm(ei)

# --- scband reference (transcript-rebuilt; emitter-appended) ---
"""Pipeline reference for scband-gcnstage1-compute-norm-onnx-51994874085826 (READ-ONLY COPY).

The authoritative reference and input builder live on the scoring server;
editing this copy changes nothing except your own understanding.
"""

import jax, jax.numpy as jnp
import numpy as np

NUM_NODES = 4096
NUM_EDGES = 65536


def setup_inputs(seed: int = 0) -> dict:
    key = jax.random.key(seed)
    edge_index = jax.random.randint(key, (2, NUM_EDGES), 0, NUM_NODES)
    return {"edge_index": edge_index}


def reference(edge_index):
    # edge_index: [2, num_edges]
    row = edge_index[0]
    col = edge_index[1]
    # Torch builds one_hot(col, num_nodes).float() and sums over dim 0 to get the
    # in-degree histogram. That is mathematically identical to a scatter-add of
    # ones into a zero vector, which is the SparseCore-friendly primitive.
    deg = jnp.zeros((NUM_NODES,), dtype=jnp.float32).at[col].add(1.0)
    deg_inv_sqrt = jnp.power(deg + 1e-16, -0.5)
    deg_inv_sqrt = jnp.where(deg > 0, deg_inv_sqrt, jnp.zeros_like(deg_inv_sqrt))
    # gather per-edge normalization: norm_ij = 1/sqrt(deg_i * deg_j)
    norm = deg_inv_sqrt[row] * deg_inv_sqrt[col]
    return norm

if __name__ == "__main__":
    import jax
    _d = setup_inputs()
    print(jax.jit(kernel)(*tuple(_d.values())))

</pallas_src>

<mosaic_0001>
#map = affine_map<(d0, d1) -> (0, 0)>
#map1 = affine_map<(d0, d1) -> (0)>
module attributes {stable_mosaic.version = 14 : i64} {
  func.func @_gcn_norm(%arg0: i32, %arg1: i32, %arg2: memref<2x65536xi32, #tpu.memory_space<hbm>>, %arg3: memref<65536xf32, #tpu.memory_space<hbm>>, %arg4: memref<4096xi32, #tpu.memory_space<vmem>>, %arg5: memref<4096xf32, #tpu.memory_space<vmem>>, %arg6: memref<16x256xf32, #tpu.memory_space<vmem>>, %arg7: memref<256xf32, #tpu.memory_space<vmem>>, %arg8: memref<4096xf32, #tpu.memory_space<vmem>>, %arg9: memref<2048xi32, #tpu.memory_space<vmem>>, %arg10: memref<2048xf32, #tpu.memory_space<vmem>>, %arg11: memref<16x4096xf32, #tpu.memory_space<vmem_shared>>, %arg12: memref<4096xf32, #tpu.memory_space<vmem_shared>>, %arg13: memref<!tpu.dma_semaphore, #tpu.memory_space<semaphore_mem>>, %arg14: memref<!tpu.dma_semaphore, #tpu.memory_space<semaphore_mem>>) attributes {dimension_semantics = [#tpu.dimension_semantics<core_parallel>, #tpu.dimension_semantics<subcore_parallel>], iteration_bounds = array<i64: 2, 16>, scalar_prefetch = 0 : i64, scratch_operands = 11 : i64, tpu.core_type = #tpu.core_type<sc_vector_subcore>, window_params = [{transform_indices = #map}, {transform_indices = #map1}]} {
    %mul3A = arith.constant 2 : i32
    %mul3A_0 = arith.muli %arg1, %mul3A : i32
    %add3A = arith.addi %mul3A_0, %arg0 : i32
    %mul3A_1 = arith.constant 2048 : i32
    %mul3A_2 = arith.muli %add3A, %mul3A_1 : i32
    %mul3A_3 = arith.constant 4096 : i32
    %mul3A_4 = arith.muli %arg1, %mul3A_3 : i32
    %dma_start3A = arith.constant 1 : i32
    %dma_start3A_5 = tpu.memref_slice %arg2[%dma_start3A, %mul3A_4] : memref<2x65536xi32, #tpu.memory_space<hbm>> -> memref<1x4096xi32, #tpu.memory_space<hbm>>
    %dma_start3A_6 = tpu.memref_squeeze %dma_start3A_5 : memref<1x4096xi32, #tpu.memory_space<hbm>> -> memref<4096xi32, #tpu.memory_space<hbm>>
    %dma_start3A_7 = tpu.memref_slice %arg2[%dma_start3A, %mul3A_4] : memref<2x65536xi32, #tpu.memory_space<hbm>> -> memref<1x4096xi32, #tpu.memory_space<hbm>>
    %dma_start3A_8 = tpu.memref_squeeze %dma_start3A_7 : memref<1x4096xi32, #tpu.memory_space<hbm>> -> memref<4096xi32, #tpu.memory_space<hbm>>
    tpu.enqueue_dma source(%dma_start3A_8 : memref<4096xi32, #tpu.memory_space<hbm>>) target(%arg4 : memref<4096xi32, #tpu.memory_space<vmem>>) target_semaphore(%arg13 : memref<!tpu.dma_semaphore, #tpu.memory_space<semaphore_mem>>)
    %dma_start3A_9 = arith.constant 0 : i32
    %dma_start3A_10 = tpu.memref_slice %arg2[%dma_start3A_9, %mul3A_2] : memref<2x65536xi32, #tpu.memory_space<hbm>> -> memref<1x2048xi32, #tpu.memory_space<hbm>>
    %dma_start3A_11 = tpu.memref_squeeze %dma_start3A_10 : memref<1x2048xi32, #tpu.memory_space<hbm>> -> memref<2048xi32, #tpu.memory_space<hbm>>
    %dma_start3A_12 = tpu.memref_slice %arg2[%dma_start3A_9, %mul3A_2] : memref<2x65536xi32, #tpu.memory_space<hbm>> -> memref<1x2048xi32, #tpu.memory_space<hbm>>
    %dma_start3A_13 = tpu.memref_squeeze %dma_start3A_12 : memref<1x2048xi32, #tpu.memory_space<hbm>> -> memref<2048xi32, #tpu.memory_space<hbm>>
    tpu.enqueue_dma source(%dma_start3A_13 : memref<2048xi32, #tpu.memory_space<hbm>>) target(%arg9 : memref<2048xi32, #tpu.memory_space<vmem>>) target_semaphore(%arg14 : memref<!tpu.dma_semaphore, #tpu.memory_space<semaphore_mem>>)
    %parallel_loop3A = arith.constant 0 : i32
    %parallel_loop3A_14 = arith.constant 256 : i32
    %parallel_loop3A_15 = arith.constant 1 : i32
    scf.for %parallel_loop3A_40 = %parallel_loop3A to %parallel_loop3A_14 step %parallel_loop3A_15  : i32 {
      %parallel_loop3A_41 = arith.constant 0.000000e+00 : f32
      %parallel_loop3A_42 = vector.broadcast %parallel_loop3A_41 : f32 to vector<16xf32>
      %parallel_loop3A_43 = arith.constant 16 : i32
      %parallel_loop3A_44 = arith.muli %parallel_loop3A_40, %parallel_loop3A_43 : i32
      %parallel_loop3A_45 = arith.index_cast %parallel_loop3A_44 : i32 to index
      %parallel_loop3A_46 = tpu.vector_load %arg5[%parallel_loop3A_45] {strides = array<i32>} : memref<4096xf32, #tpu.memory_space<vmem>>, vector<16xf32>,
      tpu.vector_store %arg5[%parallel_loop3A_45], %parallel_loop3A_42 {strides = array<i32>} : memref<4096xf32, #tpu.memory_space<vmem>>, vector<16xf32>,
    } {sc.loop_unroll_factor = 16 : i64, sc.parallel_access}
    %dma_wait3A = arith.constant 1 : i32
    %dma_wait3A_16 = tpu.memref_slice %arg2[%dma_wait3A, %mul3A_4] : memref<2x65536xi32, #tpu.memory_space<hbm>> -> memref<1x4096xi32, #tpu.memory_space<hbm>>
    %dma_wait3A_17 = tpu.memref_squeeze %dma_wait3A_16 : memref<1x4096xi32, #tpu.memory_space<hbm>> -> memref<4096xi32, #tpu.memory_space<hbm>>
    %dma_wait3A_18 = tpu.memref_slice %arg2[%dma_wait3A, %mul3A_4] : memref<2x65536xi32, #tpu.memory_space<hbm>> -> memref<1x4096xi32, #tpu.memory_space<hbm>>
    %dma_wait3A_19 = tpu.memref_squeeze %dma_wait3A_18 : memref<1x4096xi32, #tpu.memory_space<hbm>> -> memref<4096xi32, #tpu.memory_space<hbm>>
    tpu.wait_dma2 semaphore(%arg13 : memref<!tpu.dma_semaphore, #tpu.memory_space<semaphore_mem>>) src(%dma_wait3A_19 : memref<4096xi32, #tpu.memory_space<hbm>>) dst(%arg4 : memref<4096xi32, #tpu.memory_space<vmem>>)
    %broadcast_in_dim3A = arith.constant 1.000000e+00 : f32
    %broadcast_in_dim3A_20 = vector.broadcast %broadcast_in_dim3A : f32 to vector<16xf32>
    %parallel_loop3A_21 = arith.constant 0 : i32
    %parallel_loop3A_22 = arith.constant 256 : i32
    %parallel_loop3A_23 = arith.constant 1 : i32
    scf.for %parallel_loop3A_40 = %parallel_loop3A_21 to %parallel_loop3A_22 step %parallel_loop3A_23  : i32 {
      %parallel_loop3A_41 = arith.constant 16 : i32
      %parallel_loop3A_42 = arith.muli %parallel_loop3A_40, %parallel_loop3A_41 : i32
      %parallel_loop3A_43 = arith.index_cast %parallel_loop3A_42 : i32 to index
      %parallel_loop3A_44 = tpu.vector_load %arg4[%parallel_loop3A_43] {strides = array<i32>} : memref<4096xi32, #tpu.memory_space<vmem>>, vector<16xi32>,
      tpu.vector_store_idx %arg5[%parallel_loop3A_44], %broadcast_in_dim3A_20 {add = true} : memref<4096xf32, #tpu.memory_space<vmem>>[vector<16xi32>], vector<16xf32>,
    } {sc.loop_unroll_factor = 16 : i64, sc.parallel_access}
    "tpu.region"() ({
      %run_scoped3A = tpu.sem_alloc : memref<!tpu.dma_semaphore, #tpu.memory_space<semaphore_mem>>
      %dma_start3A_40 = arith.constant 0 : i32
      %dma_start3A_41 = tpu.memref_slice %arg11[%arg1, %dma_start3A_40] : memref<16x4096xf32, #tpu.memory_space<vmem_shared>> -> memref<1x4096xf32, #tpu.memory_space<vmem_shared>>
      %dma_start3A_42 = tpu.memref_squeeze %dma_start3A_41 : memref<1x4096xf32, #tpu.memory_space<vmem_shared>> -> memref<4096xf32, #tpu.memory_space<vmem_shared>>
      %dma_start3A_43 = arith.constant 0 : i32
      %dma_start3A_44 = tpu.memref_slice %arg11[%arg1, %dma_start3A_43] : memref<16x4096xf32, #tpu.memory_space<vmem_shared>> -> memref<1x4096xf32, #tpu.memory_space<vmem_shared>>
      %dma_start3A_45 = tpu.memref_squeeze %dma_start3A_44 : memref<1x4096xf32, #tpu.memory_space<vmem_shared>> -> memref<4096xf32, #tpu.memory_space<vmem_shared>>
      tpu.enqueue_dma source(%arg5 : memref<4096xf32, #tpu.memory_space<vmem>>) target(%dma_start3A_45 : memref<4096xf32, #tpu.memory_space<vmem_shared>>) target_semaphore(%run_scoped3A : memref<!tpu.dma_semaphore, #tpu.memory_space<semaphore_mem>>)
      %dma_wait3A_46 = arith.constant 0 : i32
      %dma_wait3A_47 = tpu.memref_slice %arg11[%arg1, %dma_wait3A_46] : memref<16x4096xf32, #tpu.memory_space<vmem_shared>> -> memref<1x4096xf32, #tpu.memory_space<vmem_shared>>
      %dma_wait3A_48 = tpu.memref_squeeze %dma_wait3A_47 : memref<1x4096xf32, #tpu.memory_space<vmem_shared>> -> memref<4096xf32, #tpu.memory_space<vmem_shared>>
      %dma_wait3A_49 = arith.constant 0 : i32
      %dma_wait3A_50 = tpu.memref_slice %arg11[%arg1, %dma_wait3A_49] : memref<16x4096xf32, #tpu.memory_space<vmem_shared>> -> memref<1x4096xf32, #tpu.memory_space<vmem_shared>>
      %dma_wait3A_51 = tpu.memref_squeeze %dma_wait3A_50 : memref<1x4096xf32, #tpu.memory_space<vmem_shared>> -> memref<4096xf32, #tpu.memory_space<vmem_shared>>
      tpu.wait_dma2 semaphore(%run_scoped3A : memref<!tpu.dma_semaphore, #tpu.memory_space<semaphore_mem>>) src(%arg5 : memref<4096xf32, #tpu.memory_space<vmem>>) dst(%dma_wait3A_51 : memref<4096xf32, #tpu.memory_space<vmem_shared>>)
      tpu.yield
    }) : () -> ()
    %barrier3A = arith.constant 0 : index
    tpu.barrier barrier_id(%barrier3A)
    %mul3A_24 = arith.constant 256 : i32
    %mul3A_25 = arith.muli %arg1, %mul3A_24 : i32
    "tpu.region"() ({
      %run_scoped3A = tpu.sem_alloc : memref<!tpu.dma_semaphore, #tpu.memory_space<semaphore_mem>>
      %dma_start3A_40 = arith.constant 0 : i32
      %dma_start3A_41 = tpu.memref_slice %arg11[%dma_start3A_40, %mul3A_25] : memref<16x4096xf32, #tpu.memory_space<vmem_shared>> -> memref<16x256xf32, #tpu.memory_space<vmem_shared>>
      %dma_start3A_42 = arith.constant 0 : i32
      %dma_start3A_43 = tpu.memref_slice %arg11[%dma_start3A_42, %mul3A_25] : memref<16x4096xf32, #tpu.memory_space<vmem_shared>> -> memref<16x256xf32, #tpu.memory_space<vmem_shared>>
      tpu.enqueue_dma source(%dma_start3A_43 : memref<16x256xf32, #tpu.memory_space<vmem_shared>>) target(%arg6 : memref<16x256xf32, #tpu.memory_space<vmem>>) target_semaphore(%run_scoped3A : memref<!tpu.dma_semaphore, #tpu.memory_space<semaphore_mem>>)
      %dma_wait3A_44 = arith.constant 0 : i32
      %dma_wait3A_45 = tpu.memref_slice %arg11[%dma_wait3A_44, %mul3A_25] : memref<16x4096xf32, #tpu.memory_space<vmem_shared>> -> memref<16x256xf32, #tpu.memory_space<vmem_shared>>
      %dma_wait3A_46 = arith.constant 0 : i32
      %dma_wait3A_47 = tpu.memref_slice %arg11[%dma_wait3A_46, %mul3A_25] : memref<16x4096xf32, #tpu.memory_space<vmem_shared>> -> memref<16x256xf32, #tpu.memory_space<vmem_shared>>
      tpu.wait_dma2 semaphore(%run_scoped3A : memref<!tpu.dma_semaphore, #tpu.memory_space<semaphore_mem>>) src(%dma_wait3A_47 : memref<16x256xf32, #tpu.memory_space<vmem_shared>>) dst(%arg6 : memref<16x256xf32, #tpu.memory_space<vmem>>)
      tpu.yield
    }) : () -> ()
    %parallel_loop3A_26 = arith.constant 0 : i32
    %parallel_loop3A_27 = arith.constant 16 : i32
    %parallel_loop3A_28 = arith.constant 1 : i32
    scf.for %parallel_loop3A_40 = %parallel_loop3A_26 to %parallel_loop3A_27 step %parallel_loop3A_28  : i32 {
      %parallel_loop3A_41 = arith.constant 0.000000e+00 : f32
      %parallel_loop3A_42 = vector.broadcast %parallel_loop3A_41 : f32 to vector<16xf32>
      %parallel_loop3A_43 = arith.constant 16 : i32
      %parallel_loop3A_44 = arith.muli %parallel_loop3A_40, %parallel_loop3A_43 : i32
      %parallel_loop3A_45 = arith.constant 0 : i32
      %parallel_loop3A_46 = arith.index_cast %parallel_loop3A_45 : i32 to index
      %parallel_loop3A_47 = arith.index_cast %parallel_loop3A_44 : i32 to index
      %parallel_loop3A_48 = tpu.vector_load %arg6[%parallel_loop3A_46, %parallel_loop3A_47] {strides = array<i32>} : memref<16x256xf32, #tpu.memory_space<vmem>>, vector<16xf32>,
      %parallel_loop3A_49 = arith.addf %parallel_loop3A_42, %parallel_loop3A_48 : vector<16xf32>
      %parallel_loop3A_50 = arith.constant 16 : i32
      %parallel_loop3A_51 = arith.muli %parallel_loop3A_40, %parallel_loop3A_50 : i32
      %parallel_loop3A_52 = arith.constant 1 : i32
      %parallel_loop3A_53 = arith.index_cast %parallel_loop3A_52 : i32 to index
      %parallel_loop3A_54 = arith.index_cast %parallel_loop3A_51 : i32 to index
      %parallel_loop3A_55 = tpu.vector_load %arg6[%parallel_loop3A_53, %parallel_loop3A_54] {strides = array<i32>} : memref<16x256xf32, #tpu.memory_space<vmem>>, vector<16xf32>,
      %parallel_loop3A_56 = arith.addf %parallel_loop3A_49, %parallel_loop3A_55 : vector<16xf32>
      %parallel_loop3A_57 = arith.constant 16 : i32
      %parallel_loop3A_58 = arith.muli %parallel_loop3A_40, %parallel_loop3A_57 : i32
      %parallel_loop3A_59 = arith.constant 2 : i32
      %parallel_loop3A_60 = arith.index_cast %parallel_loop3A_59 : i32 to index
      %parallel_loop3A_61 = arith.index_cast %parallel_loop3A_58 : i32 to index
      %parallel_loop3A_62 = tpu.vector_load %arg6[%parallel_loop3A_60, %parallel_loop3A_61] {strides = array<i32>} : memref<16x256xf32, #tpu.memory_space<vmem>>, vector<16xf32>,
      %parallel_loop3A_63 = arith.addf %parallel_loop3A_56, %parallel_loop3A_62 : vector<16xf32>
      %parallel_loop3A_64 = arith.constant 16 : i32
      %parallel_loop3A_65 = arith.muli %parallel_loop3A_40, %parallel_loop3A_64 : i32
      %parallel_loop3A_66 = arith.constant 3 : i32
      %parallel_loop3A_67 = arith.index_cast %parallel_loop3A_66 : i32 to index
      %parallel_loop3A_68 = arith.index_cast %parallel_loop3A_65 : i32 to index
      %parallel_loop3A_69 = tpu.vector_load %arg6[%parallel_loop3A_67, %parallel_loop3A_68] {strides = array<i32>} : memref<16x256xf32, #tpu.memory_space<vmem>>, vector<16xf32>,
      %parallel_loop3A_70 = arith.addf %parallel_loop3A_63, %parallel_loop3A_69 : vector<16xf32>
      %parallel_loop3A_71 = arith.constant 16 : i32
      %parallel_loop3A_72 = arith.muli %parallel_loop3A_40, %parallel_loop3A_71 : i32
      %parallel_loop3A_73 = arith.constant 4 : i32
      %parallel_loop3A_74 = arith.index_cast %parallel_loop3A_73 : i32 to index
      %parallel_loop3A_75 = arith.index_cast %parallel_loop3A_72 : i32 to index
      %parallel_loop3A_76 = tpu.vector_load %arg6[%parallel_loop3A_74, %parallel_loop3A_75] {strides = array<i32>} : memref<16x256xf32, #tpu.memory_space<vmem>>, vector<16xf32>,
      %parallel_loop3A_77 = arith.addf %parallel_loop3A_70, %parallel_loop3A_76 : vector<16xf32>
      %parallel_loop3A_78 = arith.constant 16 : i32
      %parallel_loop3A_79 = arith.muli %parallel_loop3A_40, %parallel_loop3A_78 : i32
      %parallel_loop3A_80 = arith.constant 5 : i32
      %parallel_loop3A_81 = arith.index_cast %parallel_loop3A_80 : i32 to index
      %parallel_loop3A_82 = arith.index_cast %parallel_loop3A_79 : i32 to index
      %parallel_loop3A_83 = tpu.vector_load %arg6[%parallel_loop3A_81, %parallel_loop3A_82] {strides = array<i32>} : memref<16x256xf32, #tpu.memory_space<vmem>>, vector<16xf32>,
      %parallel_loop3A_84 = arith.addf %parallel_loop3A_77, %parallel_loop3A_83 : vector<16xf32>
      %parallel_loop3A_85 = arith.constant 16 : i32
      %parallel_loop3A_86 = arith.muli %parallel_loop3A_40, %parallel_loop3A_85 : i32
      %parallel_loop3A_87 = arith.constant 6 : i32
      %parallel_loop3A_88 = arith.index_cast %parallel_loop3A_87 : i32 to index
      %parallel_loop3A_89 = arith.index_cast %parallel_loop3A_86 : i32 to index
      %parallel_loop3A_90 = tpu.vector_load %arg6[%parallel_loop3A_88, %parallel_loop3A_89] {strides = array<i32>} : memref<16x256xf32, #tpu.memory_space<vmem>>, vector<16xf32>,
      %parallel_loop3A_91 = arith.addf %parallel_loop3A_84, %parallel_loop3A_90 : vector<16xf32>
      %parallel_loop3A_92 = arith.constant 16 : i32
      %parallel_loop3A_93 = arith.muli %parallel_loop3A_40, %parallel_loop3A_92 : i32
      %parallel_loop3A_94 = arith.constant 7 : i32
      %parallel_loop3A_95 = arith.index_cast %parallel_loop3A_94 : i32 to index
      %parallel_loop3A_96 = arith.index_cast %parallel_loop3A_93 : i32 to index
      %parallel_loop3A_97 = tpu.vector_load %arg6[%parallel_loop3A_95, %parallel_loop3A_96] {strides = array<i32>} : memref<16x256xf32, #tpu.memory_space<vmem>>, vector<16xf32>,
      %parallel_loop3A_98 = arith.addf %parallel_loop3A_91, %parallel_loop3A_97 : vector<16xf32>
      %parallel_loop3A_99 = arith.constant 16 : i32
      %parallel_loop3A_100 = arith.muli %parallel_loop3A_40, %parallel_loop3A_99 : i32
      %parallel_loop3A_101 = arith.constant 8 : i32
      %parallel_loop3A_102 = arith.index_cast %parallel_loop3A_101 : i32 to index
      %parallel_loop3A_103 = arith.index_cast %parallel_loop3A_100 : i32 to index
      %parallel_loop3A_104 = tpu.vector_load %arg6[%parallel_loop3A_102, %parallel_loop3A_103] {strides = array<i32>} : memref<16x256xf32, #tpu.memory_space<vmem>>, vector<16xf32>,
      %parallel_loop3A_105 = arith.addf %parallel_loop3A_98, %parallel_loop3A_104 : vector<16xf32>
      %parallel_loop3A_106 = arith.constant 16 : i32
      %parallel_loop3A_107 = arith.muli %parallel_loop3A_40, %parallel_loop3A_106 : i32
      %parallel_loop3A_108 = arith.constant 9 : i32
      %parallel_loop3A_109 = arith.index_cast %parallel_loop3A_108 : i32 to index
      %parallel_loop3A_110 = arith.index_cast %parallel_loop3A_107 : i32 to index
      %parallel_loop3A_111 = tpu.vector_load %arg6[%parallel_loop3A_109, %parallel_loop3A_110] {strides = array<i32>} : memref<16x256xf32, #tpu.memory_space<vmem>>, vector<16xf32>,
      %parallel_loop3A_112 = arith.addf %parallel_loop3A_105, %parallel_loop3A_111 : vector<16xf32>
      %parallel_loop3A_113 = arith.constant 16 : i32
      %parallel_loop3A_114 = arith.muli %parallel_loop3A_40, %parallel_loop3A_113 : i32
      %parallel_loop3A_115 = arith.constant 10 : i32
      %parallel_loop3A_116 = arith.index_cast %parallel_loop3A_115 : i32 to index
      %parallel_loop3A_117 = arith.index_cast %parallel_loop3A_114 : i32 to index
      %parallel_loop3A_118 = tpu.vector_load %arg6[%parallel_loop3A_116, %parallel_loop3A_117] {strides = array<i32>} : memref<16x256xf32, #tpu.memory_space<vmem>>, vector<16xf32>,
      %parallel_loop3A_119 = arith.addf %parallel_loop3A_112, %parallel_loop3A_118 : vector<16xf32>
      %parallel_loop3A_120 = arith.constant 16 : i32
      %parallel_loop3A_121 = arith.muli %parallel_loop3A_40, %parallel_loop3A_120 : i32
      %parallel_loop3A_122 = arith.constant 11 : i32
      %parallel_loop3A_123 = arith.index_cast %parallel_loop3A_122 : i32 to index
      %parallel_loop3A_124 = arith.index_cast %parallel_loop3A_121 : i32 to index
      %parallel_loop3A_125 = tpu.vector_load %arg6[%parallel_loop3A_123, %parallel_loop3A_124] {strides = array<i32>} : memref<16x256xf32, #tpu.memory_space<vmem>>, vector<16xf32>,
      %parallel_loop3A_126 = arith.addf %parallel_loop3A_119, %parallel_loop3A_125 : vector<16xf32>
      %parallel_loop3A_127 = arith.constant 16 : i32
      %parallel_loop3A_128 = arith.muli %parallel_loop3A_40, %parallel_loop3A_127 : i32
      %parallel_loop3A_129 = arith.constant 12 : i32
      %parallel_loop3A_130 = arith.index_cast %parallel_loop3A_129 : i32 to index
      %parallel_loop3A_131 = arith.index_cast %parallel_loop3A_128 : i32 to index
      %parallel_loop3A_132 = tpu.vector_load %arg6[%parallel_loop3A_130, %parallel_loop3A_131] {strides = array<i32>} : memref<16x256xf32, #tpu.memory_space<vmem>>, vector<16xf32>,
      %parallel_loop3A_133 = arith.addf %parallel_loop3A_126, %parallel_loop3A_132 : vector<16xf32>
      %parallel_loop3A_134 = arith.constant 16 : i32
      %parallel_loop3A_135 = arith.muli %parallel_loop3A_40, %parallel_loop3A_134 : i32
      %parallel_loop3A_136 = arith.constant 13 : i32
      %parallel_loop3A_137 = arith.index_cast %parallel_loop3A_136 : i32 to index
      %parallel_loop3A_138 = arith.index_cast %parallel_loop3A_135 : i32 to index
      %parallel_loop3A_139 = tpu.vector_load %arg6[%parallel_loop3A_137, %parallel_loop3A_138] {strides = array<i32>} : memref<16x256xf32, #tpu.memory_space<vmem>>, vector<16xf32>,
      %parallel_loop3A_140 = arith.addf %parallel_loop3A_133, %parallel_loop3A_139 : vector<16xf32>
      %parallel_loop3A_141 = arith.constant 16 : i32
      %parallel_loop3A_142 = arith.muli %parallel_loop3A_40, %parallel_loop3A_141 : i32
      %parallel_loop3A_143 = arith.constant 14 : i32
      %parallel_loop3A_144 = arith.index_cast %parallel_loop3A_143 : i32 to index
      %parallel_loop3A_145 = arith.index_cast %parallel_loop3A_142 : i32 to index
      %parallel_loop3A_146 = tpu.vector_load %arg6[%parallel_loop3A_144, %parallel_loop3A_145] {strides = array<i32>} : memref<16x256xf32, #tpu.memory_space<vmem>>, vector<16xf32>,
      %parallel_loop3A_147 = arith.addf %parallel_loop3A_140, %parallel_loop3A_146 : vector<16xf32>
      %parallel_loop3A_148 = arith.constant 16 : i32
      %parallel_loop3A_149 = arith.muli %parallel_loop3A_40, %parallel_loop3A_148 : i32
      %parallel_loop3A_150 = arith.constant 15 : i32
      %parallel_loop3A_151 = arith.index_cast %parallel_loop3A_150 : i32 to index
      %parallel_loop3A_152 = arith.index_cast %parallel_loop3A_149 : i32 to index
      %parallel_loop3A_153 = tpu.vector_load %arg6[%parallel_loop3A_151, %parallel_loop3A_152] {strides = array<i32>} : memref<16x256xf32, #tpu.memory_space<vmem>>, vector<16xf32>,
      %parallel_loop3A_154 = arith.addf %parallel_loop3A_147, %parallel_loop3A_153 : vector<16xf32>
      %parallel_loop3A_155 = vector.bitcast %parallel_loop3A_154 : vector<16xf32> to vector<16xi32>
      %parallel_loop3A_156 = arith.constant 1 : i32
      %parallel_loop3A_157 = vector.broadcast %parallel_loop3A_156 : i32 to vector<16xi32>
      %parallel_loop3A_158 = arith.shrui %parallel_loop3A_155, %parallel_loop3A_157 : vector<16xi32>
      %parallel_loop3A_159 = arith.constant 1597463007 : i32
      %parallel_loop3A_160 = vector.broadcast %parallel_loop3A_159 : i32 to vector<16xi32>
      %parallel_loop3A_161 = arith.subi %parallel_loop3A_160, %parallel_loop3A_158 : vector<16xi32>
      %parallel_loop3A_162 = vector.bitcast %parallel_loop3A_161 : vector<16xi32> to vector<16xf32>
      %parallel_loop3A_163 = arith.constant 5.000000e-01 : f32
      %parallel_loop3A_164 = vector.broadcast %parallel_loop3A_163 : f32 to vector<16xf32>
      %parallel_loop3A_165 = arith.mulf %parallel_loop3A_164, %parallel_loop3A_154 : vector<16xf32>
      %parallel_loop3A_166 = arith.mulf %parallel_loop3A_165, %parallel_loop3A_162 : vector<16xf32>
      %parallel_loop3A_167 = arith.mulf %parallel_loop3A_166, %parallel_loop3A_162 : vector<16xf32>
      %parallel_loop3A_168 = arith.constant 1.500000e+00 : f32
      %parallel_loop3A_169 = vector.broadcast %parallel_loop3A_168 : f32 to vector<16xf32>
      %parallel_loop3A_170 = arith.subf %parallel_loop3A_169, %parallel_loop3A_167 : vector<16xf32>
      %parallel_loop3A_171 = arith.mulf %parallel_loop3A_162, %parallel_loop3A_170 : vector<16xf32>
      %parallel_loop3A_172 = arith.constant 5.000000e-01 : f32
      %parallel_loop3A_173 = vector.broadcast %parallel_loop3A_172 : f32 to vector<16xf32>
      %parallel_loop3A_174 = arith.mulf %parallel_loop3A_173, %parallel_loop3A_154 : vector<16xf32>
      %parallel_loop3A_175 = arith.mulf %parallel_loop3A_174, %parallel_loop3A_171 : vector<16xf32>
      %parallel_loop3A_176 = arith.mulf %parallel_loop3A_175, %parallel_loop3A_171 : vector<16xf32>
      %parallel_loop3A_177 = arith.constant 1.500000e+00 : f32
      %parallel_loop3A_178 = vector.broadcast %parallel_loop3A_177 : f32 to vector<16xf32>
      %parallel_loop3A_179 = arith.subf %parallel_loop3A_178, %parallel_loop3A_176 : vector<16xf32>
      %parallel_loop3A_180 = arith.mulf %parallel_loop3A_171, %parallel_loop3A_179 : vector<16xf32>
      %parallel_loop3A_181 = arith.constant 5.000000e-01 : f32
      %parallel_loop3A_182 = vector.broadcast %parallel_loop3A_181 : f32 to vector<16xf32>
      %parallel_loop3A_183 = arith.mulf %parallel_loop3A_182, %parallel_loop3A_154 : vector<16xf32>
      %parallel_loop3A_184 = arith.mulf %parallel_loop3A_183, %parallel_loop3A_180 : vector<16xf32>
      %parallel_loop3A_185 = arith.mulf %parallel_loop3A_184, %parallel_loop3A_180 : vector<16xf32>
      %parallel_loop3A_186 = arith.constant 1.500000e+00 : f32
      %parallel_loop3A_187 = vector.broadcast %parallel_loop3A_186 : f32 to vector<16xf32>
      %parallel_loop3A_188 = arith.subf %parallel_loop3A_187, %parallel_loop3A_185 : vector<16xf32>
      %parallel_loop3A_189 = arith.mulf %parallel_loop3A_180, %parallel_loop3A_188 : vector<16xf32>
      %parallel_loop3A_190 = arith.constant 5.000000e-01 : f32
      %parallel_loop3A_191 = vector.broadcast %parallel_loop3A_190 : f32 to vector<16xf32>
      %parallel_loop3A_192 = arith.cmpf ogt, %parallel_loop3A_154, %parallel_loop3A_191 : vector<16xf32>
      %parallel_loop3A_193 = arith.constant 0.000000e+00 : f32
      %parallel_loop3A_194 = vector.broadcast %parallel_loop3A_193 : f32 to vector<16xf32>
      %parallel_loop3A_195 = arith.select %parallel_loop3A_192, %parallel_loop3A_189, %parallel_loop3A_194 : vector<16xi1>, vector<16xf32>
      %parallel_loop3A_196 = arith.constant 16 : i32
      %parallel_loop3A_197 = arith.muli %parallel_loop3A_40, %parallel_loop3A_196 : i32
      %parallel_loop3A_198 = arith.index_cast %parallel_loop3A_197 : i32 to index
      %parallel_loop3A_199 = tpu.vector_load %arg7[%parallel_loop3A_198] {strides = array<i32>} : memref<256xf32, #tpu.memory_space<vmem>>, vector<16xf32>,
      tpu.vector_store %arg7[%parallel_loop3A_198], %parallel_loop3A_195 {strides = array<i32>} : memref<256xf32, #tpu.memory_space<vmem>>, vector<16xf32>,
    } {sc.loop_unroll_factor = 2 : i64, sc.parallel_access}
    "tpu.region"() ({
      %run_scoped3A = tpu.sem_alloc : memref<!tpu.dma_semaphore, #tpu.memory_space<semaphore_mem>>
      %dma_start3A_40 = tpu.memref_slice %arg12[%mul3A_25] : memref<4096xf32, #tpu.memory_space<vmem_shared>> -> memref<256xf32, #tpu.memory_space<vmem_shared>>
      %dma_start3A_41 = tpu.memref_slice %arg12[%mul3A_25] : memref<4096xf32, #tpu.memory_space<vmem_shared>> -> memref<256xf32, #tpu.memory_space<vmem_shared>>
      tpu.enqueue_dma source(%arg7 : memref<256xf32, #tpu.memory_space<vmem>>) target(%dma_start3A_41 : memref<256xf32, #tpu.memory_space<vmem_shared>>) target_semaphore(%run_scoped3A : memref<!tpu.dma_semaphore, #tpu.memory_space<semaphore_mem>>)
      %dma_wait3A_42 = tpu.memref_slice %arg12[%mul3A_25] : memref<4096xf32, #tpu.memory_space<vmem_shared>> -> memref<256xf32, #tpu.memory_space<vmem_shared>>
      %dma_wait3A_43 = tpu.memref_slice %arg12[%mul3A_25] : memref<4096xf32, #tpu.memory_space<vmem_shared>> -> memref<256xf32, #tpu.memory_space<vmem_shared>>
      tpu.wait_dma2 semaphore(%run_scoped3A : memref<!tpu.dma_semaphore, #tpu.memory_space<semaphore_mem>>) src(%arg7 : memref<256xf32, #tpu.memory_space<vmem>>) dst(%dma_wait3A_43 : memref<256xf32, #tpu.memory_space<vmem_shared>>)
      tpu.yield
    }) : () -> ()
    %barrier3A_29 = arith.constant 0 : index
    tpu.barrier barrier_id(%barrier3A_29)
    "tpu.region"() ({
      %run_scoped3A = tpu.sem_alloc : memref<!tpu.dma_semaphore, #tpu.memory_space<semaphore_mem>>
      tpu.enqueue_dma source(%arg12 : memref<4096xf32, #tpu.memory_space<vmem_shared>>) target(%arg8 : memref<4096xf32, #tpu.memory_space<vmem>>) target_semaphore(%run_scoped3A : memref<!tpu.dma_semaphore, #tpu.memory_space<semaphore_mem>>)
      tpu.wait_dma2 semaphore(%run_scoped3A : memref<!tpu.dma_semaphore, #tpu.memory_space<semaphore_mem>>) src(%arg12 : memref<4096xf32, #tpu.memory_space<vmem_shared>>) dst(%arg8 : memref<4096xf32, #tpu.memory_space<vmem>>)
      tpu.yield
    }) : () -> ()
    %dma_wait3A_30 = arith.constant 0 : i32
    %dma_wait3A_31 = tpu.memref_slice %arg2[%dma_wait3A_30, %mul3A_2] : memref<2x65536xi32, #tpu.memory_space<hbm>> -> memref<1x2048xi32, #tpu.memory_space<hbm>>
    %dma_wait3A_32 = tpu.memref_squeeze %dma_wait3A_31 : memref<1x2048xi32, #tpu.memory_space<hbm>> -> memref<2048xi32, #tpu.memory_space<hbm>>
    %dma_wait3A_33 = tpu.memref_slice %arg2[%dma_wait3A_30, %mul3A_2] : memref<2x65536xi32, #tpu.memory_space<hbm>> -> memref<1x2048xi32, #tpu.memory_space<hbm>>
    %dma_wait3A_34 = tpu.memref_squeeze %dma_wait3A_33 : memref<1x2048xi32, #tpu.memory_space<hbm>> -> memref<2048xi32, #tpu.memory_space<hbm>>
    tpu.wait_dma2 semaphore(%arg14 : memref<!tpu.dma_semaphore, #tpu.memory_space<semaphore_mem>>) src(%dma_wait3A_34 : memref<2048xi32, #tpu.memory_space<hbm>>) dst(%arg9 : memref<2048xi32, #tpu.memory_space<vmem>>)
    %mul3A_35 = arith.constant 2048 : i32
    %mul3A_36 = arith.muli %arg0, %mul3A_35 : i32
    %parallel_loop3A_37 = arith.constant 0 : i32
    %parallel_loop3A_38 = arith.constant 128 : i32
    %parallel_loop3A_39 = arith.constant 1 : i32
    scf.for %parallel_loop3A_40 = %parallel_loop3A_37 to %parallel_loop3A_38 step %parallel_loop3A_39  : i32 {
      %parallel_loop3A_41 = arith.constant 16 : i32
      %parallel_loop3A_42 = arith.muli %parallel_loop3A_40, %parallel_loop3A_41 : i32
      %parallel_loop3A_43 = arith.index_cast %parallel_loop3A_42 : i32 to index
      %parallel_loop3A_44 = tpu.vector_load %arg9[%parallel_loop3A_43] {strides = array<i32>} : memref<2048xi32, #tpu.memory_space<vmem>>, vector<16xi32>,
      %parallel_loop3A_45 = arith.constant 16 : i32
      %parallel_loop3A_46 = arith.muli %parallel_loop3A_40, %parallel_loop3A_45 : i32
      %parallel_loop3A_47 = arith.addi %mul3A_36, %parallel_loop3A_46 : i32
      %parallel_loop3A_48 = arith.index_cast %parallel_loop3A_47 : i32 to index
      %parallel_loop3A_49 = tpu.vector_load %arg4[%parallel_loop3A_48] {strides = array<i32>} : memref<4096xi32, #tpu.memory_space<vmem>>, vector<16xi32>,
      %parallel_loop3A_50 = tpu.vector_load_idx %arg8[%parallel_loop3A_44] : memref<4096xf32, #tpu.memory_space<vmem>>[vector<16xi32>], vector<16xf32>,
      %parallel_loop3A_51 = tpu.vector_load_idx %arg8[%parallel_loop3A_49] : memref<4096xf32, #tpu.memory_space<vmem>>[vector<16xi32>], vector<16xf32>,
      %parallel_loop3A_52 = arith.mulf %parallel_loop3A_50, %parallel_loop3A_51 : vector<16xf32>
      %parallel_loop3A_53 = arith.constant 16 : i32
      %parallel_loop3A_54 = arith.muli %parallel_loop3A_40, %parallel_loop3A_53 : i32
      %parallel_loop3A_55 = arith.index_cast %parallel_loop3A_54 : i32 to index
      %parallel_loop3A_56 = tpu.vector_load %arg10[%parallel_loop3A_55] {strides = array<i32>} : memref<2048xf32, #tpu.memory_space<vmem>>, vector<16xf32>,
      tpu.vector_store %arg10[%parallel_loop3A_55], %parallel_loop3A_52 {strides = array<i32>} : memref<2048xf32, #tpu.memory_space<vmem>>, vector<16xf32>,
    } {sc.loop_unroll_factor = 16 : i64, sc.parallel_access}
    "tpu.region"() ({
      %run_scoped3A = tpu.sem_alloc : memref<!tpu.dma_semaphore, #tpu.memory_space<semaphore_mem>>
      %dma_start3A_40 = tpu.memref_slice %arg3[%mul3A_2] : memref<65536xf32, #tpu.memory_space<hbm>> -> memref<2048xf32, #tpu.memory_space<hbm>>
      %dma_start3A_41 = tpu.memref_slice %arg3[%mul3A_2] : memref<65536xf32, #tpu.memory_space<hbm>> -> memref<2048xf32, #tpu.memory_space<hbm>>
      tpu.enqueue_dma source(%arg10 : memref<2048xf32, #tpu.memory_space<vmem>>) target(%dma_start3A_41 : memref<2048xf32, #tpu.memory_space<hbm>>) target_semaphore(%run_scoped3A : memref<!tpu.dma_semaphore, #tpu.memory_space<semaphore_mem>>)
      %dma_wait3A_42 = tpu.memref_slice %arg3[%mul3A_2] : memref<65536xf32, #tpu.memory_space<hbm>> -> memref<2048xf32, #tpu.memory_space<hbm>>
      %dma_wait3A_43 = tpu.memref_slice %arg3[%mul3A_2] : memref<65536xf32, #tpu.memory_space<hbm>> -> memref<2048xf32, #tpu.memory_space<hbm>>
      tpu.wait_dma2 semaphore(%run_scoped3A : memref<!tpu.dma_semaphore, #tpu.memory_space<semaphore_mem>>) src(%arg10 : memref<2048xf32, #tpu.memory_space<vmem>>) dst(%dma_wait3A_43 : memref<2048xf32, #tpu.memory_space<hbm>>)
      tpu.yield
    }) : () -> ()
    return
  }
}

</mosaic_0001>

<sc_bundles>
// kernel: kernel.3.cloned.1.call-start
scs
__scs_entry_jumppad:
0x0: {  	(pc) =	sbr.rel $0x88, $3  }
0x1: {  	(tag) =	ssettag $0x0;
	lr =	simm.s32 $0x1  }
0x2: {  	[smem:$0x3FA0] =	sst lr;
	_ =	strace $0xD0000000  }
0x3: {  	_ = 	snop  }
0x4: {  	_ = 	snop  }
0x5: {  	_ = 	snop  }
0x6: {  	_ = 	snop  }
0x7: {  	_ = 	snop  }
__scs_overlays_trampoline_lowered:
0x8: {  	[smem:$0x3FAF] =	sst s0  }
0x9: {  	[smem:$0x3FB0] =	sst s1  }
0xa: {  	[smem:$0x3FB1] =	sst s2  }
0xb: {  	[smem:$0x3FB2] =	sst s3  }
0xc: {  	[smem:$0x3FB3] =	sst s4  }
0xd: {  	[smem:$0x3FB4] =	sst s5  }
0xe: {  	[smem:$0x3FB5] =	sst s6  }
0xf: {  	[smem:$0x3FB6] =	sst s7  }
0x10: {  	[smem:$0x3FB7] =	sst s8  }
0x11: {  	[smem:$0x3FB8] =	sst s9;
	s0 =	simm.s32 @!p0 $0x0  }
0x12: {  	s1 =	sld [smem:$0x3F9E];
	s0 =	simm.s32 @p0 $0x1  }
0x13: {  	[smem:$0x3FB9] =	sst s0;
	s0 =	simm.s32 @!p1 $0x0  }
0x14: {  	s2 =	sld [smem:$0x3F9D];
	s0 =	simm.s32 @p1 $0x1  }
0x15: {  	[smem:$0x3FBA] =	sst s0;
	s0 =	simm.s32 @!p2 $0x0  }
0x16: {  	s3 =	sld [smem:$0x3FDB];
	s0 =	simm.s32 @p2 $0x1  }
0x17: {  	s4 =	simm.s32 $0x1BF5;
	[smem:$0x3FBC] =	sst s0  }
0x18: {  	s0 =	sld [smem:$0x3F9F];
	_ =	swait.ge [sflag:s4], $0x0  }
0x19: {  	s7 =	sld [smem:$0x3FA0]  }
0x1a: {  	s8 =	sadd.s32 $0xFFFFE003, lr  }
0x1b: {  	s9 =	sadd.s32 $0xFFFFFEF7, lr;
	s5 =	simm.s32 $0xFFFFFFFF;
	p2 =	slt.u32 s8, $0xFFFFF086  }
0x1c: {  	p1 =	slt.u32 s9, $0xF7A;
	s5 =	simm.s32 @!p2 $0x0  }
0x1d: {  	s5 =	simm.s32 @p1 $0x1;
	p0 =	seq.s32 s7, s2  }
0x1e: {  	s7 =	smul.u32 @!p0 $0xF7A, s2;
	p2 =	seq.s32 @!p0 s5, $0x0  }
0x1f: {  	s9 =	smul.u32 $0xF7A, s1;
	s8 =	simm.s32 @!p0 $0x1BF5;
	p2 =	por !p2, p0  }
0x20: {  	[sflag:s8] =	ssyncset.s32 @!p0 $0xFFFFF086;
	s6 =	sadd.s32 @!p0 s3, s7;
	s7 =	simm.s32 @!p0 $0x108  }
0x21: {  	s3 =	sadd.s32 s3, s9;
	s6 =	sadd.s32 @!p0 $0x88, s6;
	s7 =	simm.s32 @p2 $0x1082  }
0x22: {  	[simem:s7], [sflag:s8] =	dma.local @!p0 [hbm:s6], $0xF7A  }
0x23: {  	s9 =	sor.u32 $0xD0000000, s2;
	s6 =	simm.s32 $0x108;
	_ =	swait.ge @!p0 [sflag:s8], $0x0  }
0x24: {  	s3 =	sadd.s32 $0x88, s3;
	s6 =	simm.s32 @!p1 $0x1082;
	[sflag:s4] =	ssyncset.s32 $0xFFFFF086  }
0x25: {  	[simem:s6], [sflag:s4] =	dma.local [hbm:s3], $0xF7A  }
0x26: {  	[smem:$0x3FA0] =	sst s1;
	(tag) =	ssettag s2;
	_ =	strace s9  }
0x27: {  	s1 =	sld [smem:$0x3FB0]  }
0x28: {  	s2 =	sld [smem:$0x3FB1]  }
0x29: {  	s4 =	sld [smem:$0x3FB3]  }
0x2a: {  	p0 =	seq.s32 s5, $0x0;
	s5 =	sld [smem:$0x3FB4]  }
0x2b: {  	s6 =	sld [smem:$0x3FB5]  }
0x2c: {  	s7 =	sld [smem:$0x3FB6]  }
0x2d: {  	s3 =	simm.s32 $0x108;
	s8 =	sld [smem:$0x3FB7]  }
0x2e: {  	s3 =	simm.s32 @!p0 $0x1082;
	s9 =	sld [smem:$0x3FB8]  }
0x2f: {  	lr =	sadd.s32 s0, s3;
	s0 =	sld [smem:$0x3FAF]  }
0x30: {  	s3 =	sld [smem:$0x3FB2]  }
0x31: {  	[smem:$0x3FBB] =	sst s10  }
0x32: {  	s10 =	sld [smem:$0x3FB9];
	_ =	sdelay $0x3  }
0x33: {  	p0 =	seq.s32 s10, $0x1;
	s10 =	sld [smem:$0x3FBB];
	_ =	sdelay $0x3  }
0x34: {  	[smem:$0x3FBB] =	sst s10  }
0x35: {  	s10 =	sld [smem:$0x3FBA];
	_ =	sdelay $0x3  }
0x36: {  	p1 =	seq.s32 s10, $0x1;
	s10 =	sld [smem:$0x3FBB];
	_ =	sdelay $0x3  }
0x37: {  	[smem:$0x3FBB] =	sst s10  }
0x38: {  	s10 =	sld [smem:$0x3FBC]  }
0x39: {  	_ = 	snop;
	(pc) =	sbr.ind lr, $3  }
0x3a: {  	_ = 	snop  }
0x3b: {  	_ = 	snop  }
0x3c: {  	p2 =	seq.s32 s10, $0x1;
	s10 =	sld [smem:$0x3FBB]  }
0x3d: {  	_ =	shalt  }
0x3e: {  	_ =	shalt  }
0x3f: {  	_ =	shalt  }
0x40: {  	_ =	shalt  }
0x41: {  	_ =	shalt  }
0x42: {  	_ =	shalt  }
0x43: {  	_ =	shalt  }
0x44: {  	_ =	shalt  }
0x45: {  	_ =	shalt  }
0x46: {  	_ =	shalt  }
0x47: {  	_ =	shalt  }
0x48: {  	_ =	shalt  }
0x49: {  	_ =	shalt  }
0x4a: {  	_ =	shalt  }
0x4b: {  	_ =	shalt  }
0x4c: {  	_ =	shalt  }
0x4d: {  	_ =	shalt  }
0x4e: {  	_ =	shalt  }
0x4f: {  	_ =	shalt  }
0x50: {  	_ =	shalt  }
0x51: {  	_ =	shalt  }
0x52: {  	_ =	shalt  }
0x53: {  	_ =	shalt  }
0x54: {  	_ =	shalt  }
0x55: {  	_ =	shalt  }
0x56: {  	_ =	shalt  }
0x57: {  	_ =	shalt  }
0x58: {  	_ =	shalt  }
0x59: {  	_ =	shalt  }
0x5a: {  	_ =	shalt  }
0x5b: {  	_ =	shalt  }
0x5c: {  	_ =	shalt  }
0x5d: {  	_ =	shalt  }
0x5e: {  	_ =	shalt  }
0x5f: {  	_ =	shalt  }
0x60: {  	_ =	shalt  }
0x61: {  	_ =	shalt  }
0x62: {  	_ =	shalt  }
0x63: {  	_ =	shalt  }
0x64: {  	_ =	shalt  }
0x65: {  	_ =	shalt  }
0x66: {  	_ =	shalt  }
0x67: {  	_ =	shalt  }
0x68: {  	_ =	shalt  }
0x69: {  	_ =	shalt  }
0x6a: {  	_ =	shalt  }
0x6b: {  	_ =	shalt  }
0x6c: {  	_ =	shalt  }
0x6d: {  	_ =	shalt  }
0x6e: {  	_ =	shalt  }
0x6f: {  	_ =	shalt  }
0x70: {  	_ =	shalt  }
0x71: {  	_ =	shalt  }
0x72: {  	_ =	shalt  }
0x73: {  	_ =	shalt  }
0x74: {  	_ =	shalt  }
0x75: {  	_ =	shalt  }
0x76: {  	_ =	shalt  }
0x77: {  	_ =	shalt  }
0x78: {  	_ =	shalt  }
0x79: {  	_ =	shalt  }
0x7a: {  	_ =	shalt  }
0x7b: {  	_ =	shalt  }
0x7c: {  	_ =	shalt  }
0x7d: {  	_ =	shalt  }
0x7e: {  	_ =	shalt  }
0x7f: {  	_ =	shalt  }
0x80: {  	_ =	shalt  }
0x81: {  	_ =	shalt  }
0x82: {  	_ =	shalt  }
0x83: {  	_ =	shalt  }
0x84: {  	_ =	shalt  }
0x85: {  	_ =	shalt  }
0x86: {  	_ =	shalt  }
0x87: {  	_ =	shalt  }
.Lfunc_end0:
.L_simem_size_0:
called_computation_lowered:
.L_overlay_start_0:
0x88: {  	s2 =	sld [smem:$0x3FD9]  }
0x89: {  	s3 =	sld [smem:$0x3FFE];
	_ =	sdelay $0x1  }
0x8a: {  	s1 =	srdreg.scid  }
0x8b: {  	s0 =	sand.u32 $0x1, s1  }
0x8c: {  	s18 =	sshll.u32 s0, $0xA;
	s2 =	sadd.s32 s3, s2  }
0x8d: {  	s2 =	sadd.s32 s2, s18  }
0x8e: {  	[smem:$0x3FC7] =	sst s2  }
0x8f: {  	_ = 	snop  }
0x90: {  	s2 =	sld [smem:$0x3FC9]  }
0x91: {  	s19 =	sld [smem:$0x3FD0];
	(tm) =	ssettm $0x1  }
0x92: {  	s4 =	sld [smem:$0x3FFB];
	_ =	sdelay $0x3  }
0x93: {  	_ =	strace s4  }
0x94: {  	s4 =	sld [smem:$0x3FFC];
	_ =	sdelay $0x3  }
0x95: {  	_ =	strace s4  }
0x96: {  	s4 =	sld [smem:$0x3FFD];
	_ =	sdelay $0x3  }
0x97: {  	_ =	strace s4  }
0x98: {  	_ =	strace $0x8FFFFFFF  }
0x99: {  	s20 =	sld [smem:$0x3FDB];
	_ =	sdelay $0x1  }
0x9a: {  	s5 =	simm.s32 $_scs_section_size  }
0x9b: {  	s6 =	simm.s32 $_size__tile_overlayer_lowered;
	s7 =	simm.s32 $_tile_overlayer_lowered  }
0x9c: {  	s23 =	simm.s32 $0x1BFF;
	s22 =	sshll.u32 s7, $0x1;
	s4 =	sadd.s32 s5, s20  }
0x9d: {  	s8 =	simm.s32 $0x0;
	s21 =	sshll.u32 s6, $0x1;
	s6 =	sadd.s32 s22, s4  }
0x9e: {  	[timem:s8], [sflag:s23] =	dma.local [hbm:s6], s21  }
0x9f: {  	_ =	swait.ge [sflag:s23], s21  }
0xa0: {  	s5 =	ssub.s32 $0x0, s21;
	[sflag:s23] =	ssyncset.done $0x0  }
0xa1: {  	[sflag:s23] =	ssyncadd.s32 s5;
	_ =	sdelay $0x1  }
0xa2: {  	s24 =	simm.s32 $0x1B8B  }
0xa3: {  	_ =	swait.ge [sflag:s24], $0x1  }
0xa4: {  	[sflag:s24] =	ssyncset.done $0x0  }
0xa5: {  	s25 =	simm.s32 $0x1B8E;
	[sflag:s24] =	ssyncadd.s32 $0xFFFFFFFF  }
0xa6: {  	s26 =	simm.s32 $execute0_lowered;
	[smem:$0x3FD2] =	sst s25  }
0xa7: {  	s5 =	sshll.u32 s26, $0x1;
	_ =	strace $0x80000046;
	[dreg:$0x1] =	wrdreg $0xFFFFFFFF  }
0xa8: {  	s28 =	simm.s32 $_size_execute0_lowered;
	s4 =	sadd.s32 s4, s5;
	[dreg:$0x0] =	wrdreg $0x0  }
0xa9: {  	s5 =	sshll.u32 s28, $0x1;
	[dreg:$0x2] =	wrdreg s4  }
0xaa: {  	[dreg:$0x3] =	wrdreg s5  }
0xab: {  	[dreg:$0x4] =	wrdreg $0xC0  }
0xac: {  	_ =	task [dreg:s8], $0x5FFFF  }
0xad: {  	[dreg:$0x1] =	wrdreg $0xFFFFFFFF  }
0xae: {  	[dreg:$0x0] =	wrdreg $0x60  }
0xaf: {  	[dreg:$0x2] =	wrdreg s2  }
0xb0: {  	[dreg:$0x3] =	wrdreg s19  }
0xb1: {  	[dreg:$0x4] =	wrdreg $0x51000  }
0xb2: {  	[dreg:$0x5] =	wrdreg $0x61000  }
0xb3: {  	[dreg:$0x6] =	wrdreg $0x9  }
0xb4: {  	_ =	task.clear_ibuf [dreg:s8], $0x7FFFF;
	_ =	strace $0x90000046  }
0xb5: {  	s29 =	simm.s32 $0x9;
	_ =	strace $0x80000048  }
0xb6: {  	_ =	swait.ge [sflag:s29], $0x1  }
0xb7: {  	[sflag:s29] =	ssyncadd.s32 $0xFFFFFFFF  }
0xb8: {  	_ =	strace $0x90000048  }
0xb9: {  	_ =	sfence  }
0xba: {  	s30 =	sld [smem:$0x0];
	_ =	sdelay $0x2  }
0xbb: {  	s31 =	sshll.u32 s1, $0xD;
	s1 =	sshrl.u32 s1, $0x2  }
0xbc: {  	s3 =	sand.u32 $0x4000, s31;
	s1 =	sadd.s32 s1, s30  }
0xbd: {  	s0 =	sor.u32 s3, s0;
	s1 =	sshll.u32 s1, $0x11  }
0xbe: {  	s0 =	sor.u32 s1, s0  }
0xbf: {  	s0 =	sadd.s32 $0x8F2B, s0  }
0xc0: {  	[sflag:s0] =	ssyncadd.remote.s32 $0x1  }
0xc1: {  	_ =	sfence.sel $0xFFFF  }
0xc2: {  	[dreg:$0x0] =	wrdreg $0xFFFFFFFF;
	(pc) =	sbr.abs _section_cstart, $3  }
0xc3: {  	[dreg:$0x1] =	wrdreg $0xFFFFFFFF  }
0xc4: {  	_ =	task.clear_ibuf [dreg:s8], $0x2FFFF;
	_ =	strace $0x9FFFFFFF  }
0xc5: {  	(tm) =	ssettm $0x7FFFFFFF  }
tec
execute0_lowered:
.L_overlay_start_1:
0x0: {  	(tag) =	ssettag $0x1  }
0x1: {  	s0 =	rddreg [dreg:$0x0]  }
0x2: {  	s1 =	rddreg [dreg:$0x1]  }
0x3: {  	s2 =	rddreg [dreg:$0x2]  }
0x4: {  	s11 =	rddreg [dreg:$0x3]  }
0x5: {  	s3 =	srdreg.scid;
	s13 =	simm.s32 $0x0;
	s12 =	stileid.u32  }
0x6: {  	s15 =	simm.s32 $0x1;
	s16 =	simm.s32 $0x1000;
	s18 =	simm.s32 $0x3  }
0x7: {  	s23 =	simm.s32 $0x3100;
	s3 =	sand.u32 $0x1, s3;
	[smem:$0x7FF] =	sst s13  }
0x8: {  	s7 =	sshll.u32 s12, $0xA;
	s6 =	sshll.u32 s12, $0xC;
	s26 =	sshll.u32 s12, $0x7  }
0x9: {  	s29 =	sshll.u32 s12, $0xB;
	s12 =	simm.s32 $0x80;
	s4 =	ssub.s32 $0x2, s3  }
0xa: {  	_ =	strace $0x80000047;
	s3 =	sshll.u32 s3, $0xB;
	s8 =	sadd.s32 s7, s0  }
0xb: {  	s28 =	sand.u32 $0x380, s26;
	s30 =	sshrl.u32 s7, $0x2;
	s7 =	sadd.s32 s29, s2  }
0xc: {  	s26 =	simm.s32 $0x0;
	s5 =	sshrl.u32 s4, $0x1;
	s9 =	sor.u32 s3, s6  }
0xd: {  	s24 =	sadd.s32 $0x10, s8;
	s6 =	sand.u32 $0x8000, s6;
	s8 =	sadd.s32 s30, s11  }
0xe: {  	s11 =	sor.u32 $0x80, s3;
	s10 =	ssub.s32 s4, s5;
	[dreg:$0x5] =	wrdreg s24  }
0xf: {  	s25 =	sshrl.u32 s9, $0x2;
	s6 =	sadd.s32 s6, s2;
	s31 =	sshrl.u32 s9, $0x3  }
0x10: {  	s24 =	simm.s32 $0x2;
	s0 =	sadd.s32 s0, s25;
	s6 =	sadd.s32 s28, s6  }
0x11: {  	v0 =	vimm.f32 $0.0e+00;
	v1 =	vimm.f32 $1.000000000e+00;
	s9 =	sadd.s32 s1, s31;
	s10 =	smax.u32 s10, $0x1;
	[dreg:$0x6] =	wrdreg s0  }
.LBB2_1:
0x12: {  	s0 =	rddreg [dreg:$0x5];
	s1 =	simm.s32 $0x100  }
0x13: {  	[tilespmem:s13], [sflag:$0x1] =	stream.strided.gather [hbm4b:s0+s12], $0x1000, s1, s12, $0x38;
	[tilespmem:$0x6200] =	vst v63  }
0x14: {  	s31 =	rddreg [dreg:$0x6];
	s2 =	simm.s32 $0x4100;
	s0 =	simm.s32 $0x1080  }
0x15: {  	[tilespmem:s2], [sflag:$0x2] =	stream.strided.gather [hbm4b:s31+s12], $0x800, s1, s12, $0x38;
	[tilespmem:$0x6200] =	vst v63  }
0x16: {  	[tilespmem:s0+$0xFFFFFF80] =	vst v0  }
0x17: {  	[tilespmem:s0+$0x70] =	vst v0  }
0x18: {  	[tilespmem:s0+$0x60] =	vst v0  }
0x19: {  	[tilespmem:s0+$0x50] =	vst v0  }
0x1a: {  	[tilespmem:s0+$0x40] =	vst v0  }
0x1b: {  	[tilespmem:s0+$0x30] =	vst v0  }
0x1c: {  	[tilespmem:s0+$0x20] =	vst v0  }
0x1d: {  	[tilespmem:s0+$0x10] =	vst v0  }
0x1e: {  	[tilespmem:s0+$0x0] =	vst v0  }
0x1f: {  	[tilespmem:s0+$0xFFFFFFF0] =	vst v0  }
0x20: {  	[tilespmem:s0+$0xFFFFFFE0] =	vst v0  }
0x21: {  	[tilespmem:s0+$0xFFFFFFD0] =	vst v0  }
0x22: {  	[tilespmem:s0+$0xFFFFFFC0] =	vst v0  }
0x23: {  	[tilespmem:s0+$0xFFFFFFB0] =	vst v0  }
0x24: {  	s1 =	simm.s32 $0x0;
	[tilespmem:s0+$0xFFFFFFA0] =	vst v0  }
.LBB2_2:
0x25: {  	s1 =	sadd.s32 $0x10, s1;
	[tilespmem:s0+$0xFFFFFF90] =	vst v0;
	s0 =	sadd.s32 $0x100, s0  }
0x26: {  	[tilespmem:s0+$0xFFFFFF80] =	vst v0;
	p0 =	slt.u32 s1, $0xF0  }
0x27: {  	[tilespmem:s0+$0x70] =	vst v0  }
0x28: {  	[tilespmem:s0+$0x60] =	vst v0  }
0x29: {  	[tilespmem:s0+$0x50] =	vst v0  }
0x2a: {  	[tilespmem:s0+$0x40] =	vst v0  }
0x2b: {  	[tilespmem:s0+$0x30] =	vst v0  }
0x2c: {  	[tilespmem:s0+$0x20] =	vst v0  }
0x2d: {  	[tilespmem:s0+$0x10] =	vst v0  }
0x2e: {  	[tilespmem:s0+$0x0] =	vst v0  }
0x2f: {  	[tilespmem:s0+$0xFFFFFFF0] =	vst v0  }
.Ltmp0:
0x30: {  	[tilespmem:s0+$0xFFFFFFE0] =	vst v0;
	(pc) =	sbr.rel @p0 .LBB2_2-.Ltmp0, $4  }
0x31: {  	[tilespmem:s0+$0xFFFFFFD0] =	vst v0  }
0x32: {  	[tilespmem:s0+$0xFFFFFFC0] =	vst v0  }
0x33: {  	[tilespmem:s0+$0xFFFFFFB0] =	vst v0  }
0x34: {  	[tilespmem:s0+$0xFFFFFFA0] =	vst v0  }
0x35: {  	[tilespmem:s0+$0xFFFFFF90] =	vst v0  }
0x36: {  	_ =	swait.ge [sflag:s15], $0x1000  }
0x37: {  	[sflag:s15] =	ssyncset.done $0x0  }
0x38: {  	s0 =	simm.s32 $0x80;
	[sflag:s15] =	ssyncadd.s32 $0xFFFFF000  }
0x39: {  	v3 =	vld [tilespmem:s0+$0x30]  }
0x3a: {  	v4 =	vld [tilespmem:s0+$0x40]  }
0x3b: {  	v2 =	vld [tilespmem:s0+$0xFFFFFF80]  }
0x3c: {  	v5 =	vld [tilespmem:s0+$0x70]  }
0x3d: {  	v6 =	vld [tilespmem:s0+$0xFFFFFFD0]  }
0x3e: {  	v7 =	vld [tilespmem:s0+$0xFFFFFFE0]  }
0x3f: {  	v8 =	vld [tilespmem:s0+$0xFFFFFFF0]  }
0x40: {  	v9 =	vld [tilespmem:s0+$0x0]  }
0x41: {  	v10 =	vld [tilespmem:s0+$0x60]  }
0x42: {  	v11 =	vld [tilespmem:s0+$0x50]  }
0x43: {  	v62 =	vld [tilespmem:s0+$0xFFFFFFA0]  }
0x44: {  	v12 =	vld [tilespmem:s0+$0x20]  }
0x45: {  	v13 =	vld [tilespmem:s0+$0x10]  }
0x46: {  	v63 =	vld [tilespmem:s0+$0xFFFFFFB0]  }
0x47: {  	[tilespmem:v2+s16+$0x0] =	vst.idx.add.f32.msk $0xffff, v1  }
0x48: {  	[tilespmem:v5+s16+$0x0] =	vst.idx.add.f32.msk $0xffff, v1  }
0x49: {  	v2 =	vld [tilespmem:s0+$0xFFFFFF90]  }
0x4a: {  	[tilespmem:v10+s16+$0x0] =	vst.idx.add.f32.msk $0xffff, v1  }
0x4b: {  	[tilespmem:v11+s16+$0x0] =	vst.idx.add.f32.msk $0xffff, v1  }
0x4c: {  	[tilespmem:v4+s16+$0x0] =	vst.idx.add.f32.msk $0xffff, v1  }
0x4d: {  	[tilespmem:v3+s16+$0x0] =	vst.idx.add.f32.msk $0xffff, v1  }
0x4e: {  	v3 =	vld [tilespmem:s0+$0xFFFFFFC0]  }
0x4f: {  	[tilespmem:v12+s16+$0x0] =	vst.idx.add.f32.msk $0xffff, v1  }
0x50: {  	[tilespmem:v13+s16+$0x0] =	vst.idx.add.f32.msk $0xffff, v1  }
0x51: {  	[tilespmem:v9+s16+$0x0] =	vst.idx.add.f32.msk $0xffff, v1  }
0x52: {  	[tilespmem:v8+s16+$0x0] =	vst.idx.add.f32.msk $0xffff, v1  }
0x53: {  	[tilespmem:v7+s16+$0x0] =	vst.idx.add.f32.msk $0xffff, v1  }
0x54: {  	[tilespmem:v6+s16+$0x0] =	vst.idx.add.f32.msk $0xffff, v1  }
0x55: {  	[tilespmem:v63+s16+$0x0] =	vst.idx.add.f32.msk $0xffff, v1  }
0x56: {  	[tilespmem:v62+s16+$0x0] =	vst.idx.add.f32.msk $0xffff, v1  }
0x57: {  	s1 =	simm.s32 $0x0;
	[tilespmem:v3+s16+$0x0] =	vst.idx.add.f32.msk $0xffff, v1  }
.LBB2_4:
0x58: {  	s1 =	sadd.s32 $0x10, s1;
	[tilespmem:v2+s16+$0x0] =	vst.idx.add.f32.msk $0xffff, v1;
	s0 =	sadd.s32 $0x100, s0  }
0x59: {  	v3 =	vld [tilespmem:s0+$0x30];
	p0 =	slt.u32 s1, $0xF0  }
0x5a: {  	v4 =	vld [tilespmem:s0+$0x40]  }
0x5b: {  	v2 =	vld [tilespmem:s0+$0xFFFFFF80]  }
0x5c: {  	v5 =	vld [tilespmem:s0+$0x70]  }
0x5d: {  	v6 =	vld [tilespmem:s0+$0xFFFFFFD0]  }
0x5e: {  	v7 =	vld [tilespmem:s0+$0xFFFFFFE0]  }
0x5f: {  	v8 =	vld [tilespmem:s0+$0xFFFFFFF0]  }
0x60: {  	v9 =	vld [tilespmem:s0+$0x0]  }
0x61: {  	v10 =	vld [tilespmem:s0+$0x60]  }
0x62: {  	v11 =	vld [tilespmem:s0+$0x50]  }
0x63: {  	[tilespmem:v2+s16+$0x0] =	vst.idx.add.f32.msk $0xffff, v1  }
0x64: {  	[tilespmem:v5+s16+$0x0] =	vst.idx.add.f32.msk $0xffff, v1  }
0x65: {  	v2 =	vld [tilespmem:s0+$0xFFFFFF90]  }
0x66: {  	v5 =	vld [tilespmem:s0+$0xFFFFFFA0]  }
0x67: {  	v12 =	vld [tilespmem:s0+$0x20]  }
0x68: {  	v13 =	vld [tilespmem:s0+$0x10]  }
0x69: {  	[tilespmem:v10+s16+$0x0] =	vst.idx.add.f32.msk $0xffff, v1  }
0x6a: {  	[tilespmem:v11+s16+$0x0] =	vst.idx.add.f32.msk $0xffff, v1  }
0x6b: {  	[tilespmem:v4+s16+$0x0] =	vst.idx.add.f32.msk $0xffff, v1  }
0x6c: {  	[tilespmem:v3+s16+$0x0] =	vst.idx.add.f32.msk $0xffff, v1  }
0x6d: {  	v3 =	vld [tilespmem:s0+$0xFFFFFFC0]  }
0x6e: {  	v4 =	vld [tilespmem:s0+$0xFFFFFFB0]  }
0x6f: {  	[tilespmem:v12+s16+$0x0] =	vst.idx.add.f32.msk $0xffff, v1  }
0x70: {  	[tilespmem:v13+s16+$0x0] =	vst.idx.add.f32.msk $0xffff, v1  }
0x71: {  	[tilespmem:v9+s16+$0x0] =	vst.idx.add.f32.msk $0xffff, v1  }
0x72: {  	[tilespmem:v8+s16+$0x0] =	vst.idx.add.f32.msk $0xffff, v1  }
.Ltmp1:
0x73: {  	[tilespmem:v7+s16+$0x0] =	vst.idx.add.f32.msk $0xffff, v1;
	(pc) =	sbr.rel @p0 .LBB2_4-.Ltmp1, $4  }
0x74: {  	[tilespmem:v6+s16+$0x0] =	vst.idx.add.f32.msk $0xffff, v1  }
0x75: {  	[tilespmem:v3+s16+$0x0] =	vst.idx.add.f32.msk $0xffff, v1  }
0x76: {  	[tilespmem:v4+s16+$0x0] =	vst.idx.add.f32.msk $0xffff, v1  }
0x77: {  	[tilespmem:v5+s16+$0x0] =	vst.idx.add.f32.msk $0xffff, v1  }
0x78: {  	_ =	sdelay $0x3  }
0x79: {  	[tilespmem:v2+s16+$0x0] =	vst.idx.add.f32.msk $0xffff, v1;
	s0 =	simm.s32 $0x400  }
0x7a: {  	[spmem:s6] =	stream.strided.scatter [tilespmem:s16], [sflag:$0x3], $0x1000, s0, s12, $0x38;
	[tilespmem:$0x6200] =	vst v63  }
0x7b: {  	_ =	swait.ge [sflag:s18], $0x1000  }
0x7c: {  	[sflag:s18] =	ssyncset.done $0x0  }
0x7d: {  	s20 =	simm.s32 $0x800;
	s1 =	simm.s32 $0x8000;
	[sflag:s18] =	ssyncadd.s32 $0xFFFFF000  }
0x7e: {  	s2 =	simm.s32 $0x2000;
	s0 =	simm.s32 $0x0;
	[bflag:$0x0] =	sbarrier.arrive $0xFFFF  }
0x7f: {  	[tilespmem:s2], [sflag:$0x3] =	stream.strided.gather [spmem:s7], $0x1000, s1, s20, $0x38;
	[tilespmem:$0x6200] =	vst v63  }
0x80: {  	s3 =	sand.u32 $0x400, s0;
	s1 =	sand.u32 $0x60, s0;
	_ =	swait.ge [sflag:s18], $0x1000  }
0x81: {  	s14 =	sor.u32 $0x2000, s3;
	s2 =	sor.u32 $0x10, s1;
	[sflag:s18] =	ssyncset.done $0x0  }
0x82: {  	s17 =	sor.u32 s2, s14;
	[sflag:s18] =	ssyncadd.s32 $0xFFFFF000  }
0x83: {  	s14 =	sor.u32 s1, s14;
	v2 =	vld [tilespmem:s17+$0x0]  }
0x84: {  	v4 =	vld [tilespmem:s14+$0x0]  }
0x85: {  	v6 =	vld [tilespmem:s17+$0x80]  }
0x86: {  	v9 =	vld [tilespmem:s14+$0x80]  }
0x87: {  	v10 =	vld [tilespmem:s17+$0x100]  }
0x88: {  	v15 =	vld [tilespmem:s14+$0x100]  }
0x89: {  	v14 =	vld [tilespmem:s17+$0x180]  }
0x8a: {  	v16 =	vld [tilespmem:s14+$0x180]  }
0x8b: {  	v17 =	vld [tilespmem:s17+$0x200]  }
0x8c: {  	v18 =	vld [tilespmem:s14+$0x200]  }
0x8d: {  	v19 =	vld [tilespmem:s17+$0x280]  }
0x8e: {  	v20 =	vld [tilespmem:s14+$0x280]  }
0x8f: {  	v21 =	vld [tilespmem:s17+$0x300]  }
0x90: {  	v22 =	vld [tilespmem:s14+$0x300]  }
0x91: {  	s19 =	sor.u32 $0x2800, s3;
	v23 =	vld [tilespmem:s17+$0x380]  }
0x92: {  	s21 =	sor.u32 s2, s19;
	v5 =	vld [tilespmem:s14+$0x380]  }
0x93: {  	s25 =	sor.u32 $0x2880, s3;
	s22 =	sor.u32 s1, s19;
	v24 =	vld [tilespmem:s21+$0x0]  }
0x94: {  	s4 =	sor.u32 s2, s25;
	v13 =	vld [tilespmem:s22+$0x0]  }
0x95: {  	s13 =	sor.u32 $0x2900, s3;
	s5 =	sor.u32 s1, s25;
	v25 =	vld [tilespmem:s4+$0x0]  }
0x96: {  	s19 =	sor.u32 s1, s13;
	v12 =	vld [tilespmem:s5+$0x0]  }
0x97: {  	s20 =	sor.u32 $0x2980, s3;
	s17 =	sor.u32 s2, s13;
	v11 =	vld [tilespmem:s19+$0x0]  }
0x98: {  	s21 =	sor.u32 s2, s20;
	v26 =	vld [tilespmem:s17+$0x0]  }
0x99: {  	s25 =	sor.u32 $0x2A00, s3;
	s22 =	sor.u32 s1, s20;
	v27 =	vld [tilespmem:s21+$0x0]  }
0x9a: {  	s4 =	sor.u32 s2, s25;
	v8 =	vld [tilespmem:s22+$0x0]  }
0x9b: {  	s5 =	sor.u32 s1, s25;
	s13 =	sor.u32 $0x2A80, s3;
	v28 =	vld [tilespmem:s4+$0x0]  }
0x9c: {  	v3 =	vld [tilespmem:s5+$0x0];
	s25 =	sor.u32 s2, s13  }
0x9d: {  	s20 =	sor.u32 s1, s13;
	s21 =	sor.u32 $0x2B00, s3;
	v29 =	vld [tilespmem:s25+$0x0]  }
0x9e: {  	s3 =	sor.u32 $0x2B80, s3;
	s4 =	sor.u32 s2, s21;
	v7 =	vld [tilespmem:s20+$0x0]  }
0x9f: {  	s22 =	simm.s32 $0x100;
	s17 =	simm.s32 $0x20;
	s5 =	sor.u32 s2, s3;
	v30 =	vld [tilespmem:s4+$0x0]  }
0xa0: {  	s20 =	sand.u32 $0x60, s17;
	s22 =	sand.u32 $0x400, s22;
	s30 =	sor.u32 s1, s21;
	v31 =	vld [tilespmem:s5+$0x0]  }
0xa1: {  	s1 =	sor.u32 s1, s3;
	s25 =	sor.u32 $0x2000, s22;
	s14 =	sor.u32 $0x10, s20;
	v52 =	vld [tilespmem:s30+$0x0];
	v2 =	vadd.f32 $0.0e+00, v2  }
0xa2: {  	v54 =	vld [tilespmem:s1+$0x0];
	s13 =	sor.u32 s14, s25  }
0xa3: {  	s25 =	sor.u32 s20, s25;
	v32 =	vld [tilespmem:s13+$0x0];
	v2 =	vadd.f32 v6, v2  }
0xa4: {  	v33 =	vld [tilespmem:s25+$0x0]  }
0xa5: {  	v34 =	vld [tilespmem:s25+$0x80];
	v2 =	vadd.f32 v10, v2  }
0xa6: {  	v35 =	vld [tilespmem:s13+$0x100]  }
0xa7: {  	v36 =	vld [tilespmem:s25+$0x100];
	v2 =	vadd.f32 v14, v2  }
0xa8: {  	v37 =	vld [tilespmem:s13+$0x180]  }
0xa9: {  	v38 =	vld [tilespmem:s25+$0x180];
	v2 =	vadd.f32 v17, v2  }
0xaa: {  	v60 =	vld [tilespmem:s13+$0x200]  }
0xab: {  	v39 =	vld [tilespmem:s25+$0x200];
	v2 =	vadd.f32 v19, v2  }
0xac: {  	v61 =	vld [tilespmem:s13+$0x280]  }
0xad: {  	v40 =	vld [tilespmem:s25+$0x280];
	v2 =	vadd.f32 v21, v2  }
0xae: {  	v62 =	vld [tilespmem:s13+$0x300]  }
0xaf: {  	v41 =	vld [tilespmem:s25+$0x300];
	v2 =	vadd.f32 v23, v2  }
0xb0: {  	v63 =	vld [tilespmem:s13+$0x380]  }
0xb1: {  	s28 =	sor.u32 $0x2800, s22;
	v4 =	vadd.f32 $0.0e+00, v4;
	v6 =	vld [tilespmem:s13+$0x80];
	v2 =	vadd.f32 v24, v2  }
0xb2: {  	s4 =	sor.u32 s20, s28;
	v42 =	vld [tilespmem:s25+$0x380];
	s25 =	sor.u32 s14, s28;
	s28 =	sor.u32 $0x2880, s22  }
0xb3: {  	v44 =	vld [tilespmem:s25+$0x0];
	s5 =	sor.u32 s14, s28;
	v4 =	vadd.f32 v9, v4;
	v2 =	vadd.f32 v25, v2  }
0xb4: {  	s13 =	sor.u32 s20, s28;
	s28 =	sor.u32 $0x2900, s22;
	v45 =	vld [tilespmem:s5+$0x0];
	v9 =	vadd.f32 $0.0e+00, v32  }
0xb5: {  	s19 =	sor.u32 $0x2B00, s22;
	s25 =	sor.u32 s14, s28;
	v10 =	vld [tilespmem:s13+$0x0];
	v4 =	vadd.f32 v15, v4;
	v2 =	vadd.f32 v26, v2  }
0xb6: {  	v15 =	vld [tilespmem:s25+$0x0];
	s25 =	sor.u32 s14, s19;
	v6 =	vadd.f32 v6, v9  }
0xb7: {  	v51 =	vld [tilespmem:s25+$0x0];
	v4 =	vadd.f32 v16, v4;
	v2 =	vadd.f32 v27, v2  }
0xb8: {  	v14 =	vld [tilespmem:s4+$0x0];
	s4 =	sor.u32 s20, s28;
	s28 =	sor.u32 $0x2980, s22;
	v47 =	vadd.f32 v35, v6  }
0xb9: {  	v9 =	vld [tilespmem:s4+$0x0];
	s5 =	sor.u32 s14, s28;
	v18 =	vadd.f32 v18, v4;
	v2 =	vadd.f32 v28, v2  }
0xba: {  	s13 =	sor.u32 s20, s28;
	s28 =	sor.u32 $0x2A00, s22;
	v46 =	vld [tilespmem:s5+$0x0];
	v26 =	vadd.f32 v37, v47  }
0xbb: {  	s29 =	simm.s32 $0x40;
	s4 =	sor.u32 s14, s28;
	v6 =	vld [tilespmem:s13+$0x0];
	v18 =	vadd.f32 v20, v18;
	v49 =	vadd.f32 v29, v2  }
0xbc: {  	s21 =	sand.u32 $0x60, s29;
	s31 =	sor.u32 $0x2B80, s22;
	s5 =	sor.u32 s20, s28;
	v48 =	vld [tilespmem:s4+$0x0];
	v17 =	vadd.f32 v60, v26  }
0xbd: {  	s28 =	sor.u32 $0x2A80, s22;
	s22 =	sor.u32 s14, s31;
	v4 =	vld [tilespmem:s5+$0x0];
	s4 =	simm.s32 $0x200;
	v18 =	vadd.f32 v22, v18;
	v20 =	vadd.f32 v30, v49  }
0xbe: {  	s13 =	sor.u32 s14, s28;
	s28 =	sor.u32 s20, s28;
	v53 =	vld [tilespmem:s22+$0x0];
	s25 =	sand.u32 $0x400, s4;
	v17 =	vadd.f32 v61, v17  }
0xbf: {  	s5 =	sor.u32 $0x2000, s25;
	v18 =	vadd.f32 v5, v18;
	v2 =	vld [tilespmem:s28+$0x0];
	s28 =	sor.u32 $0x10, s21;
	v5 =	vadd.f32 v31, v20  }
0xc0: {  	v50 =	vld [tilespmem:s13+$0x0];
	v17 =	vadd.f32 v62, v17;
	s13 =	sor.u32 s28, s5  }
0xc1: {  	s3 =	sor.u32 s21, s5;
	v13 =	vadd.f32 v13, v18;
	v56 =	vld [tilespmem:s13+$0x0];
	v55 =	vshrl.u32 v5, $0x1;
	v26 =	vmul.f32 $5.000000000e-01, v5  }
0xc2: {  	v57 =	vld [tilespmem:s3+$0x0];
	v17 =	vadd.f32 v63, v17;
	v18 =	vsub.s32 $0x5F3759DF, v55  }
0xc3: {  	v12 =	vadd.f32 v12, v13;
	v13 =	vadd.f32 $0.0e+00, v33;
	v59 =	vld [tilespmem:s13+$0x80];
	v58 =	vmul.f32 v18, v26  }
0xc4: {  	v43 =	vld [tilespmem:s3+$0x280];
	v17 =	vadd.f32 v44, v17  }
0xc5: {  	v11 =	vadd.f32 v11, v12;
	v12 =	vadd.f32 v34, v13;
	v61 =	vld [tilespmem:s13+$0x100];
	v13 =	vmul.f32 v18, v58  }
0xc6: {  	v60 =	vld [tilespmem:s3+$0x80];
	v17 =	vadd.f32 v45, v17;
	v29 =	vadd.f32 $0.0e+00, v56  }
0xc7: {  	v12 =	vadd.f32 v36, v12;
	v63 =	vld [tilespmem:s13+$0x180];
	v13 =	vsub.f32 $1.500000000e+00, v13  }
0xc8: {  	v36 =	vld [tilespmem:s3+$0x180];
	v15 =	vadd.f32 v15, v17;
	v35 =	vadd.f32 v59, v29  }
0xc9: {  	v8 =	vadd.f32 v8, v11;
	v11 =	vadd.f32 v38, v12;
	v12 =	vmul.f32 v18, v13;
	v13 =	vld [tilespmem:s13+$0x200]  }
0xca: {  	v38 =	vld [tilespmem:s3+$0x200];
	v15 =	vadd.f32 v46, v15;
	v37 =	vadd.f32 v61, v35  }
0xcb: {  	v3 =	vadd.f32 v3, v8;
	v8 =	vadd.f32 v39, v11;
	v39 =	vld [tilespmem:s13+$0x280];
	v11 =	vmul.f32 v12, v26  }
0xcc: {  	v62 =	vld [tilespmem:s3+$0x100];
	v15 =	vadd.f32 v48, v15;
	v16 =	vadd.f32 v63, v37  }
0xcd: {  	v3 =	vadd.f32 v7, v3;
	v7 =	vadd.f32 v40, v8;
	v8 =	vmul.f32 v11, v12;
	v11 =	vld [tilespmem:s13+$0x300]  }
0xce: {  	v44 =	vld [tilespmem:s3+$0x300];
	v15 =	vadd.f32 v50, v15;
	v13 =	vadd.f32 v13, v16  }
0xcf: {  	s4 =	sor.u32 $0x2800, s25;
	v47 =	vadd.f32 v52, v3;
	v7 =	vadd.f32 v41, v7;
	v45 =	vld [tilespmem:s13+$0x380]  }
0xd0: {  	s5 =	sor.u32 s28, s4;
	v46 =	vld [tilespmem:s3+$0x380];
	v15 =	vadd.f32 v51, v15;
	v13 =	vadd.f32 v39, v13  }
0xd1: {  	v7 =	vadd.f32 v42, v7;
	s3 =	sor.u32 s21, s4;
	v48 =	vld [tilespmem:s5+$0x0];
	s13 =	sor.u32 $0x2880, s25;
	v8 =	vsub.f32 $1.500000000e+00, v8  }
0xd2: {  	v3 =	vadd.f32 v53, v15;
	v15 =	vld [tilespmem:s3+$0x0];
	s4 =	sor.u32 s28, s13;
	v11 =	vadd.f32 v11, v13  }
0xd3: {  	s5 =	sor.u32 s21, s13;
	s13 =	sor.u32 $0x2900, s25;
	v8 =	vmul.f32 v8, v12;
	v12 =	vadd.f32 v14, v7;
	v14 =	vld [tilespmem:s4+$0x0]  }
0xd4: {  	v18 =	vmul.f32 $5.000000000e-01, v3;
	v49 =	vld [tilespmem:s5+$0x0];
	v7 =	vshrl.u32 v3, $0x1;
	s4 =	sor.u32 s28, s13;
	v11 =	vadd.f32 v45, v11  }
0xd5: {  	v50 =	vadd.f32 $0.0e+00, v57;
	s5 =	sor.u32 s21, s13;
	s13 =	sor.u32 $0x2980, s25;
	v13 =	vadd.f32 v54, v47;
	v51 =	vsub.s32 $0x5F3759DF, v7;
	v53 =	vld [tilespmem:s4+$0x0]  }
0xd6: {  	v55 =	vld [tilespmem:s5+$0x0];
	s4 =	sor.u32 s28, s13;
	s5 =	sor.u32 s21, s13;
	s13 =	sor.u32 $0x2A00, s25;
	v54 =	vmul.f32 v51, v18;
	v10 =	vadd.f32 v10, v12;
	v11 =	vadd.f32 v48, v11  }
0xd7: {  	v12 =	vadd.f32 v60, v50;
	v57 =	vld [tilespmem:s4+$0x0];
	s4 =	sor.u32 s28, s13;
	v52 =	vshrl.u32 v13, $0x1;
	v7 =	vmul.f32 $5.000000000e-01, v13  }
0xd8: {  	s22 =	sor.u32 s21, s13;
	v60 =	vld [tilespmem:s4+$0x0];
	v56 =	vsub.s32 $0x5F3759DF, v52;
	v58 =	vmul.f32 v51, v54;
	v11 =	vadd.f32 v14, v11  }
0xd9: {  	s3 =	sor.u32 $0x2A80, s25;
	v9 =	vadd.f32 v9, v10;
	v10 =	vmul.f32 v8, v26;
	v12 =	vadd.f32 v62, v12;
	v62 =	vld [tilespmem:s22+$0x0]  }
0xda: {  	v59 =	vmul.f32 v56, v7;
	v24 =	vsub.f32 $1.500000000e+00, v58;
	v14 =	vld [tilespmem:s5+$0x0];
	s5 =	sor.u32 s28, s3;
	v11 =	vadd.f32 v53, v11  }
0xdb: {  	s30 =	simm.s32 $0x60;
	s13 =	sor.u32 s20, s19;
	s22 =	sor.u32 $0x2B00, s25;
	v6 =	vadd.f32 v6, v9;
	v9 =	vmul.f32 v10, v8;
	v10 =	vadd.f32 v36, v12;
	v12 =	vld [tilespmem:s5+$0x0]  }
0xdc: {  	s4 =	simm.s32 $0x300;
	v31 =	vld [tilespmem:s13+$0x0];
	s25 =	sor.u32 $0x2B80, s25;
	s19 =	sor.u32 s28, s22;
	v61 =	vmul.f32 v56, v59;
	v11 =	vadd.f32 v57, v11  }
0xdd: {  	s1 =	sand.u32 $0x60, s30;
	v29 =	vld [tilespmem:s19+$0x0];
	s19 =	sand.u32 $0x400, s4;
	v21 =	vmul.f32 v51, v24;
	v10 =	vadd.f32 v38, v10;
	s5 =	sor.u32 s28, s25;
	v4 =	vadd.f32 v4, v6  }
0xde: {  	vm1 =	vgt.f32 v5, $5.000000000e-01;
	s20 =	sor.u32 s20, s31;
	s31 =	sor.u32 $0x10, s1;
	s4 =	sor.u32 $0x2000, s19;
	v63 =	vsub.f32 $1.500000000e+00, v61;
	v33 =	vld [tilespmem:s5+$0x0];
	v11 =	vadd.f32 v60, v11  }
0xdf: {  	vm0 =	vgt.f32 v13, $5.000000000e-01;
	v32 =	vmul.f32 v21, v18;
	v6 =	vadd.f32 v43, v10;
	v10 =	vld [tilespmem:s20+$0x0];
	s20 =	sor.u32 s31, s4  }
0xe0: {  	s4 =	sor.u32 s1, s4;
	v2 =	vadd.f32 v2, v4;
	v16 =	vmul.f32 v56, v63;
	v11 =	vadd.f32 v12, v11;
	v12 =	vld [tilespmem:s20+$0x0]  }
0xe1: {  	v9 =	vsub.f32 $1.500000000e+00, v9;
	v24 =	vmul.f32 v32, v21;
	v4 =	vadd.f32 v44, v6;
	v6 =	vld [tilespmem:s4+$0x0]  }
0xe2: {  	v36 =	vld [tilespmem:s20+$0x80];
	v5 =	vadd.f32 v31, v2;
	v34 =	vmul.f32 v16, v7;
	v11 =	vadd.f32 v29, v11  }
0xe3: {  	v8 =	vmul.f32 v9, v8;
	v37 =	vld [tilespmem:s4+$0x80];
	v9 =	vsub.f32 $1.500000000e+00, v24;
	v4 =	vadd.f32 v46, v4  }
0xe4: {  	v35 =	vmul.f32 v34, v16;
	v10 =	vadd.f32 v10, v5;
	v2 =	vadd.f32 v33, v11;
	v11 =	vld [tilespmem:s20+$0x100]  }
0xe5: {  	v5 =	vld [tilespmem:s4+$0x100];
	v9 =	vmul.f32 v9, v21;
	v4 =	vadd.f32 v15, v4;
	v12 =	vadd.f32 $0.0e+00, v12  }
0xe6: {  	v40 =	vld [tilespmem:s20+$0x180];
	v6 =	vadd.f32 $0.0e+00, v6;
	v38 =	vshrl.u32 v2, $0x1;
	v39 =	vmul.f32 $5.000000000e-01, v2  }
0xe7: {  	v42 =	vld [tilespmem:s4+$0x180];
	v41 =	vshrl.u32 v10, $0x1;
	v21 =	vsub.s32 $0x5F3759DF, v38;
	v12 =	vadd.f32 v36, v12  }
0xe8: {  	v45 =	vld [tilespmem:s20+$0x200];
	v44 =	vmul.f32 $5.000000000e-01, v10;
	v6 =	vadd.f32 v37, v6;
	v43 =	vmul.f32 v21, v39  }
0xe9: {  	v46 =	vld [tilespmem:s4+$0x200];
	v13 =	vsub.f32 $1.500000000e+00, v35;
	v15 =	vsub.s32 $0x5F3759DF, v41;
	v11 =	vadd.f32 v11, v12  }
0xea: {  	v47 =	vmul.f32 v15, v44;
	v5 =	vadd.f32 v5, v6;
	v6 =	vld [tilespmem:s20+$0x280];
	v12 =	vmul.f32 v21, v43  }
0xeb: {  	v48 =	vld [tilespmem:s4+$0x280];
	v4 =	vadd.f32 v49, v4;
	v18 =	vmul.f32 v9, v18;
	v11 =	vadd.f32 v40, v11  }
0xec: {  	v50 =	vld [tilespmem:s20+$0x300];
	v49 =	vmul.f32 v15, v47;
	v5 =	vadd.f32 v42, v5;
	v12 =	vsub.f32 $1.500000000e+00, v12  }
0xed: {  	v51 =	vld [tilespmem:s4+$0x300];
	v13 =	vmul.f32 v13, v16;
	v4 =	vadd.f32 v55, v4;
	v11 =	vadd.f32 v45, v11  }
0xee: {  	v53 =	vld [tilespmem:s20+$0x380];
	v52 =	vsub.f32 $1.500000000e+00, v49;
	v5 =	vadd.f32 v46, v5;
	v12 =	vmul.f32 v21, v12  }
0xef: {  	s3 =	sor.u32 s21, s3;
	s5 =	sor.u32 $0x2800, s19;
	v7 =	vmul.f32 v13, v7;
	v4 =	vadd.f32 v14, v4;
	v6 =	vadd.f32 v6, v11;
	v11 =	vld [tilespmem:s4+$0x380]  }
0xf0: {  	v57 =	vld [tilespmem:s3+$0x0];
	s20 =	sor.u32 s31, s5;
	v15 =	vmul.f32 v15, v52;
	v5 =	vadd.f32 v48, v5;
	v54 =	vmul.f32 v12, v39  }
0xf1: {  	v14 =	vmul.f32 v18, v9;
	v55 =	vld [tilespmem:s20+$0x0];
	v56 =	vadd.f32 v62, v4;
	s4 =	sor.u32 s1, s5;
	s5 =	sor.u32 $0x2880, s19;
	v4 =	vadd.f32 v50, v6  }
0xf2: {  	v58 =	vmul.f32 v15, v44;
	v5 =	vadd.f32 v51, v5;
	s13 =	sor.u32 s31, s5;
	v6 =	vld [tilespmem:s4+$0x0];
	v18 =	vmul.f32 v54, v12  }
0xf3: {  	s20 =	sor.u32 $0x2900, s19;
	v7 =	vmul.f32 v7, v13;
	v14 =	vsub.f32 $1.500000000e+00, v14;
	s4 =	sor.u32 s1, s5;
	v59 =	vld [tilespmem:s13+$0x0];
	v4 =	vadd.f32 v53, v4  }
0xf4: {  	v17 =	vmul.f32 v58, v15;
	v5 =	vadd.f32 v11, v5;
	v11 =	vld [tilespmem:s4+$0x0];
	s4 =	sor.u32 s31, s20;
	v18 =	vsub.f32 $1.500000000e+00, v18  }
0xf5: {  	v61 =	vnsel vm1, $0x0, v8;
	v7 =	vsub.f32 $1.500000000e+00, v7;
	v9 =	vmul.f32 v14, v9;
	s13 =	sor.u32 s1, s20;
	s5 =	sor.u32 $0x2980, s19;
	v60 =	vld [tilespmem:s4+$0x0]  }
0xf6: {  	s0 =	sand.u32 $0x80, s0;
	v8 =	vsub.f32 $1.500000000e+00, v17;
	v14 =	vadd.f32 v55, v4;
	s4 =	sor.u32 s31, s5;
	v4 =	vmul.f32 v18, v12;
	v12 =	vld [tilespmem:s13+$0x0]  }
0xf7: {  	s2 =	sor.u32 s2, s0;
	s3 =	sor.u32 $0x2A00, s19;
	vm1 =	vgt.f32 v3, $5.000000000e-01;
	v7 =	vmul.f32 v7, v13;
	s5 =	sor.u32 s1, s5;
	v6 =	vadd.f32 v6, v5;
	v62 =	vld [tilespmem:s4+$0x0]  }
0xf8: {  	s0 =	simm.s32 $0x6;
	s20 =	simm.s32 $0x3000;
	v5 =	vmul.f32 v8, v15;
	v8 =	vld [tilespmem:s5+$0x0];
	s5 =	sor.u32 s31, s3;
	v13 =	vadd.f32 v59, v14;
	v14 =	vmul.f32 v4, v39  }
0xf9: {  	v7 =	vnsel vm0, $0x0, v7;
	s13 =	sand.u32 $0x80, s17;
	v15 =	vnsel vm1, $0x0, v9;
	s3 =	sor.u32 s1, s3;
	s17 =	sor.u32 $0x2A80, s19;
	v6 =	vadd.f32 v11, v6;
	v11 =	vld [tilespmem:s5+$0x0]  }
0xfa: {  	[tilespmem:s2+$0x3000] =	vst v61;
	s13 =	sor.u32 s14, s13;
	s14 =	sor.u32 s21, s22;
	v9 =	vld [tilespmem:s3+$0x0];
	s22 =	sor.u32 s31, s17;
	v63 =	vmul.f32 v5, v44;
	v16 =	vadd.f32 v60, v13;
	v18 =	vmul.f32 v14, v4  }
0xfb: {  	s2 =	sor.u32 s21, s25;
	s25 =	sor.u32 $0x2B00, s19;
	v3 =	vadd.f32 v57, v56;
	vm0 =	vgt.f32 v10, $5.000000000e-01;
	[tilespmem:s20+$0x0] =	vst v7;
	s4 =	sor.u32 s1, s17;
	v13 =	vadd.f32 v12, v6;
	v12 =	vld [tilespmem:s22+$0x0]  }
0xfc: {  	s3 =	sor.u32 s31, s25;
	s17 =	simm.s32 $0x400;
	s21 =	simm.s32 $0x80;
	[tilespmem:s13+$0x3000] =	vst v15;
	v10 =	vld [tilespmem:s4+$0x0];
	v7 =	vmul.f32 v63, v5;
	v14 =	vadd.f32 v62, v16;
	v6 =	vsub.f32 $1.500000000e+00, v18  }
.LBB2_6:
0xfd: {  	s4 =	sand.u32 $0x60, s21;
	v8 =	vadd.f32 v8, v13;
	s13 =	sor.u32 $0x2B80, s19;
	v13 =	vld [tilespmem:s3+$0x0];
	s29 =	sand.u32 $0x80, s29  }
0xfe: {  	s19 =	sand.u32 $0x400, s17;
	s0 =	sadd.s32 $0x2, s0;
	v11 =	vadd.f32 v11, v14;
	s3 =	sor.u32 s31, s13;
	v14 =	vld [tilespmem:s14+$0x0];
	v4 =	vmul.f32 v6, v4;
	v6 =	vsub.f32 $1.500000000e+00, v7  }
0xff: {  	vm1 =	vgt.f32 v2, $5.000000000e-01;
	s14 =	sor.u32 $0x2000, s19;
	s5 =	sor.u32 $0x10, s4;
	p0 =	slt.u32 s0, $0xE;
	v7 =	vadd.f32 v9, v8;
	v8 =	vld [tilespmem:s3+$0x0]  }
0x100: {  	s28 =	sor.u32 s28, s29;
	s3 =	sor.u32 s4, s14;
	s22 =	sor.u32 s5, s14;
	v2 =	vadd.f32 v12, v11;
	v9 =	vld [tilespmem:s2+$0x0];
	v4 =	vnsel vm1, $0x0, v4;
	v5 =	vmul.f32 v6, v5  }
0x101: {  	s14 =	sor.u32 s1, s25;
	s2 =	sor.u32 s1, s13;
	s1 =	smov.u32 s4;
	v6 =	vld [tilespmem:s22+$0x0];
	v7 =	vadd.f32 v10, v7;
	[tilespmem:s28+$0x3000] =	vst v4  }
0x102: {  	s20 =	sadd.s32 $0x20, s20;
	s28 =	smov.u32 s31;
	s31 =	smov.u32 s5;
	v4 =	vld [tilespmem:s3+$0x0];
	v2 =	vadd.f32 v13, v2;
	v5 =	vnsel vm0, $0x0, v5  }
0x103: {  	s29 =	smov.u32 s30;
	s30 =	smov.u32 s21;
	v10 =	vld [tilespmem:s22+$0x80];
	v11 =	vadd.f32 v14, v3;
	[tilespmem:s20+$0x0] =	vst v5;
	v3 =	vmov v7  }
0x104: {  	v5 =	vld [tilespmem:s3+$0x80];
	v2 =	vadd.f32 v8, v2  }
0x105: {  	v7 =	vld [tilespmem:s22+$0x100];
	v8 =	vadd.f32 v9, v11  }
0x106: {  	v9 =	vld [tilespmem:s3+$0x100];
	v6 =	vadd.f32 $0.0e+00, v6;
	v11 =	vshrl.u32 v2, $0x1;
	v12 =	vmul.f32 $5.000000000e-01, v2  }
0x107: {  	v4 =	vadd.f32 $0.0e+00, v4;
	v13 =	vld [tilespmem:s22+$0x180];
	v11 =	vsub.s32 $0x5F3759DF, v11;
	v14 =	vshrl.u32 v8, $0x1  }
0x108: {  	v16 =	vmul.f32 $5.000000000e-01, v8;
	v15 =	vld [tilespmem:s3+$0x180];
	v6 =	vadd.f32 v10, v6;
	v10 =	vmul.f32 v11, v12  }
0x109: {  	vm0 =	vgt.f32 v8, $5.000000000e-01;
	v14 =	vsub.s32 $0x5F3759DF, v14;
	v4 =	vadd.f32 v5, v4;
	v5 =	vld [tilespmem:s22+$0x200]  }
0x10a: {  	v8 =	vld [tilespmem:s3+$0x200];
	v6 =	vadd.f32 v7, v6;
	v7 =	vmul.f32 v11, v10;
	v10 =	vmul.f32 v14, v16  }
0x10b: {  	v4 =	vadd.f32 v9, v4;
	v9 =	vld [tilespmem:s22+$0x280]  }
0x10c: {  	v17 =	vld [tilespmem:s3+$0x280];
	v6 =	vadd.f32 v13, v6;
	v7 =	vsub.f32 $1.500000000e+00, v7;
	v10 =	vmul.f32 v14, v10  }
0x10d: {  	v4 =	vadd.f32 v15, v4;
	v13 =	vld [tilespmem:s22+$0x300]  }
0x10e: {  	v15 =	vld [tilespmem:s3+$0x300];
	v5 =	vadd.f32 v5, v6;
	v6 =	vmul.f32 v11, v7;
	v7 =	vsub.f32 $1.500000000e+00, v10  }
0x10f: {  	s4 =	sor.u32 $0x2800, s19;
	v4 =	vadd.f32 v8, v4;
	v8 =	vld [tilespmem:s22+$0x380]  }
0x110: {  	v10 =	vld [tilespmem:s3+$0x380];
	s3 =	sor.u32 s1, s4;
	v5 =	vadd.f32 v9, v5;
	s4 =	sor.u32 s31, s4;
	v9 =	vmul.f32 v6, v12;
	v7 =	vmul.f32 v14, v7  }
0x111: {  	s5 =	sor.u32 $0x2880, s19;
	v4 =	vadd.f32 v17, v4;
	v11 =	vld [tilespmem:s4+$0x0]  }
0x112: {  	s4 =	sor.u32 s31, s5;
	v14 =	vld [tilespmem:s3+$0x0];
	s3 =	sor.u32 s1, s5;
	v5 =	vadd.f32 v13, v5;
	v9 =	vmul.f32 v9, v6;
	v13 =	vmul.f32 v7, v16  }
0x113: {  	s5 =	sor.u32 $0x2900, s19;
	v4 =	vadd.f32 v15, v4;
	v15 =	vld [tilespmem:s4+$0x0]  }
0x114: {  	s4 =	sor.u32 s31, s5;
	v17 =	vld [tilespmem:s3+$0x0];
	s3 =	sor.u32 s1, s5;
	v5 =	vadd.f32 v8, v5;
	v8 =	vsub.f32 $1.500000000e+00, v9;
	v9 =	vmul.f32 v13, v7  }
0x115: {  	s5 =	sor.u32 $0x2980, s19;
	v10 =	vadd.f32 v10, v4;
	v13 =	vld [tilespmem:s4+$0x0]  }
0x116: {  	s4 =	sor.u32 s31, s5;
	v18 =	vld [tilespmem:s3+$0x0];
	s3 =	sor.u32 s1, s5;
	v5 =	vadd.f32 v11, v5;
	v4 =	vmul.f32 v8, v6;
	v6 =	vsub.f32 $1.500000000e+00, v9  }
0x117: {  	s5 =	sor.u32 $0x2A00, s19;
	v9 =	vadd.f32 v14, v10;
	v14 =	vld [tilespmem:s4+$0x0]  }
.Ltmp2:
0x118: {  	s4 =	sor.u32 s31, s5;
	v8 =	vld [tilespmem:s3+$0x0];
	s3 =	sor.u32 s1, s5;
	v10 =	vadd.f32 v15, v5;
	v12 =	vmul.f32 v4, v12;
	v5 =	vmul.f32 v6, v7;
	(pc) =	sbr.rel @p0 .LBB2_6-.Ltmp2, $4  }
0x119: {  	s5 =	sor.u32 $0x2A80, s19;
	v6 =	vadd.f32 v17, v9;
	v11 =	vld [tilespmem:s4+$0x0]  }
0x11a: {  	s4 =	sor.u32 s31, s5;
	v9 =	vld [tilespmem:s3+$0x0];
	s3 =	sor.u32 s1, s5;
	v7 =	vadd.f32 v13, v10;
	v15 =	vmul.f32 v12, v4;
	v16 =	vmul.f32 v5, v16  }
0x11b: {  	s25 =	sor.u32 $0x2B00, s19;
	v13 =	vadd.f32 v18, v6;
	v12 =	vld [tilespmem:s4+$0x0]  }
0x11c: {  	s17 =	sadd.s32 $0x100, s17;
	s21 =	sadd.s32 $0x20, s21;
	v10 =	vld [tilespmem:s3+$0x0];
	v14 =	vadd.f32 v14, v7;
	s3 =	sor.u32 s31, s25;
	v6 =	vsub.f32 $1.500000000e+00, v15;
	v7 =	vmul.f32 v16, v5  }
0x11d: {  	v15 =	vld [tilespmem:s3+$0x0]  }
0x11e: {  	s0 =	sor.u32 $0x2B80, s19;
	v43 =	vld [tilespmem:s14+$0x0];
	s21 =	sor.u32 s1, s25  }
0x11f: {  	v8 =	vadd.f32 v8, v13;
	s19 =	sor.u32 s31, s0;
	v45 =	vld [tilespmem:s21+$0x0]  }
0x120: {  	v11 =	vadd.f32 v11, v14;
	v44 =	vld [tilespmem:s19+$0x0]  }
0x121: {  	s0 =	sor.u32 s1, s0;
	v8 =	vadd.f32 v9, v8;
	v9 =	vld [tilespmem:s2+$0x0]  }
0x122: {  	v46 =	vld [tilespmem:s0+$0x0];
	v11 =	vadd.f32 v12, v11  }
0x123: {  	v8 =	vadd.f32 v10, v8  }
0x124: {  	v11 =	vadd.f32 v15, v11;
	v3 =	vadd.f32 v43, v3  }
0x125: {  	v8 =	vadd.f32 v45, v8  }
0x126: {  	v10 =	vadd.f32 v44, v11;
	v3 =	vadd.f32 v9, v3  }
0x127: {  	v8 =	vadd.f32 v46, v8  }
0x128: {  	v9 =	vshrl.u32 v10, $0x1;
	v11 =	vmul.f32 $5.000000000e-01, v10;
	v47 =	vshrl.u32 v3, $0x1  }
0x129: {  	v49 =	vmul.f32 $5.000000000e-01, v3;
	v9 =	vsub.s32 $0x5F3759DF, v9;
	v12 =	vsub.s32 $0x5F3759DF, v47  }
0x12a: {  	v15 =	vshrl.u32 v8, $0x1;
	v16 =	vmul.f32 $5.000000000e-01, v8;
	v48 =	vmul.f32 v9, v11  }
0x12b: {  	v17 =	vmul.f32 v12, v49;
	v15 =	vsub.s32 $0x5F3759DF, v15  }
0x12c: {  	v18 =	vmul.f32 v15, v16;
	v13 =	vmul.f32 v9, v48  }
0x12d: {  	v17 =	vmul.f32 v12, v17  }
0x12e: {  	v18 =	vmul.f32 v15, v18;
	v13 =	vsub.f32 $1.500000000e+00, v13  }
0x12f: {  	v17 =	vsub.f32 $1.500000000e+00, v17  }
0x130: {  	v50 =	vsub.f32 $1.500000000e+00, v18;
	v9 =	vmul.f32 v9, v13  }
0x131: {  	v12 =	vmul.f32 v12, v17  }
0x132: {  	v13 =	vmul.f32 v15, v50;
	v51 =	vmul.f32 v9, v11  }
0x133: {  	v52 =	vmul.f32 v12, v49  }
0x134: {  	v53 =	vmul.f32 v13, v16;
	v17 =	vmul.f32 v51, v9  }
0x135: {  	v15 =	vmul.f32 v52, v12  }
0x136: {  	v18 =	vmul.f32 v53, v13;
	v17 =	vsub.f32 $1.500000000e+00, v17  }
0x137: {  	v15 =	vsub.f32 $1.500000000e+00, v15  }
0x138: {  	v54 =	vsub.f32 $1.500000000e+00, v18;
	v9 =	vmul.f32 v17, v9  }
0x139: {  	v12 =	vmul.f32 v15, v12  }
0x13a: {  	v13 =	vmul.f32 v54, v13;
	v11 =	vmul.f32 v9, v11  }
0x13b: {  	v14 =	vmul.f32 v12, v49  }
0x13c: {  	v55 =	vmul.f32 v13, v16;
	v11 =	vmul.f32 v11, v9  }
0x13d: {  	v7 =	vsub.f32 $1.500000000e+00, v7;
	v14 =	vmul.f32 v14, v12  }
0x13e: {  	v4 =	vmul.f32 v6, v4;
	v6 =	vsub.f32 $1.500000000e+00, v11;
	v11 =	vmul.f32 v55, v13  }
0x13f: {  	s22 =	sand.u32 $0x80, s29;
	vm1 =	vgt.f32 v2, $5.000000000e-01;
	v2 =	vmul.f32 v7, v5;
	v5 =	vsub.f32 $1.500000000e+00, v14  }
0x140: {  	s0 =	sor.u32 s28, s22;
	v4 =	vnsel vm1, $0x0, v4;
	v6 =	vmul.f32 v6, v9;
	v7 =	vsub.f32 $1.500000000e+00, v11  }
0x141: {  	s25 =	sadd.s32 $0x20, s20;
	s28 =	sand.u32 $0x80, s30;
	[tilespmem:s0+$0x3000] =	vst v4;
	v2 =	vnsel vm0, $0x0, v2;
	vm13 =	vgt.f32 v10, $5.000000000e-01;
	v4 =	vmul.f32 v5, v12  }
0x142: {  	s1 =	sor.u32 s31, s28;
	[tilespmem:s25+$0x0] =	vst v2;
	vm14 =	vgt.f32 v3, $5.000000000e-01;
	v2 =	vnsel vm13, $0x0, v6;
	v3 =	vmul.f32 v7, v13  }
0x143: {  	s0 =	sadd.s32 $0x20, s25;
	vm15 =	vgt.f32 v8, $5.000000000e-01;
	[tilespmem:s1+$0x3000] =	vst v2;
	v2 =	vnsel vm14, $0x0, v4  }
0x144: {  	[tilespmem:s0+$0x0] =	vst v2;
	v2 =	vnsel vm15, $0x0, v3;
	s0 =	sadd.s32 $0x20, s0  }
0x145: {  	s29 =	simm.s32 $0x3000;
	[tilespmem:s0+$0x0] =	vst v2  }
0x146: {  	[spmem:s8] =	stream.linear.scatter [tilespmem:s29], [sflag:$0x3], $0x100, $0x38;
	[tilespmem:$0x6200] =	vst v63  }
0x147: {  	_ =	swait.ge [sflag:s18], $0x100  }
0x148: {  	[sflag:s18] =	ssyncset.done $0x0  }
0x149: {  	[sflag:s18] =	ssyncadd.s32 $0xFFFFFF00  }
0x14a: {  	[bflag:$0x0] =	sbarrier.arrive $0xFFFF  }
0x14b: {  	s30 =	rddreg [dreg:$0x3]  }
0x14c: {  	[tilespmem:s23], [sflag:$0x3] =	stream.linear.gather [spmem:s30], $0x1000, $0x38;
	[tilespmem:$0x6200] =	vst v63  }
0x14d: {  	_ =	swait.ge [sflag:s18], $0x1000  }
0x14e: {  	[sflag:s18] =	ssyncset.done $0x0  }
0x14f: {  	[sflag:s18] =	ssyncadd.s32 $0xFFFFF000  }
0x150: {  	_ =	swait.ge [sflag:s24], $0x800  }
0x151: {  	[sflag:s24] =	ssyncset.done $0x0  }
0x152: {  	s31 =	simm.s32 $0x4180;
	[sflag:s24] =	ssyncadd.s32 $0xFFFFF800  }
0x153: {  	v2 =	vld [tilespmem:s31+$0x70]  }
0x154: {  	v3 =	vld [tilespmem:s11+$0x70]  }
0x155: {  	v4 =	vld [tilespmem:s11+$0xFFFFFF80]  }
0x156: {  	v5 =	vld [tilespmem:s31+$0xFFFFFF90]  }
0x157: {  	v6 =	vld [tilespmem:s11+$0xFFFFFF90]  }
0x158: {  	v7 =	vld [tilespmem:s31+$0xFFFFFFA0]  }
0x159: {  	v8 =	vld [tilespmem:s11+$0xFFFFFFA0]  }
0x15a: {  	v9 =	vld [tilespmem:s31+$0xFFFFFFB0]  }
0x15b: {  	v10 =	vld [tilespmem:s11+$0xFFFFFFB0]  }
0x15c: {  	v11 =	vld [tilespmem:s31+$0xFFFFFFC0]  }
0x15d: {  	v56 =	vld [tilespmem:s11+$0xFFFFFFC0]  }
0x15e: {  	v57 =	vld [tilespmem:s31+$0xFFFFFFD0]  }
0x15f: {  	v58 =	vld [tilespmem:s11+$0xFFFFFFD0]  }
0x160: {  	v59 =	vld [tilespmem:s31+$0xFFFFFFE0]  }
0x161: {  	v60 =	vld [tilespmem:s11+$0xFFFFFFE0]  }
0x162: {  	v61 =	vld [tilespmem:s31+$0xFFFFFFF0]  }
0x163: {  	v62 =	vld [tilespmem:s11+$0xFFFFFFF0]  }
0x164: {  	v19 =	vld [tilespmem:s31+$0x0]  }
0x165: {  	v20 =	vld [tilespmem:s11+$0x0]  }
0x166: {  	v21 =	vld [tilespmem:s31+$0x10]  }
0x167: {  	v22 =	vld [tilespmem:s11+$0x10]  }
0x168: {  	v23 =	vld [tilespmem:s31+$0x20]  }
0x169: {  	v24 =	vld [tilespmem:s11+$0x20]  }
0x16a: {  	v25 =	vld [tilespmem:s31+$0x30]  }
0x16b: {  	v26 =	vld [tilespmem:s11+$0x30]  }
0x16c: {  	v27 =	vld [tilespmem:s31+$0x40]  }
0x16d: {  	v28 =	vld [tilespmem:s11+$0x40]  }
0x16e: {  	v29 =	vld [tilespmem:s31+$0x50]  }
0x16f: {  	v30 =	vld [tilespmem:s11+$0x50]  }
0x170: {  	v31 =	vld [tilespmem:s31+$0x60]  }
0x171: {  	v32 =	vld [tilespmem:s11+$0x60]  }
0x172: {  	v33 =	vld [tilespmem:s31+$0xFFFFFF80]  }
0x173: {  	v2 =	vld.idx.msk [tilespmem:v2+s23+$0x0], $0xffff  }
0x174: {  	v3 =	vld.idx.msk [tilespmem:v3+s23+$0x0], $0xffff  }
0x175: {  	v4 =	vld.idx.msk [tilespmem:v4+s23+$0x0], $0xffff  }
0x176: {  	v5 =	vld.idx.msk [tilespmem:v5+s23+$0x0], $0xffff  }
0x177: {  	v6 =	vld.idx.msk [tilespmem:v6+s23+$0x0], $0xffff  }
0x178: {  	v7 =	vld.idx.msk [tilespmem:v7+s23+$0x0], $0xffff  }
0x179: {  	v8 =	vld.idx.msk [tilespmem:v8+s23+$0x0], $0xffff  }
0x17a: {  	v9 =	vld.idx.msk [tilespmem:v9+s23+$0x0], $0xffff  }
0x17b: {  	v10 =	vld.idx.msk [tilespmem:v10+s23+$0x0], $0xffff  }
0x17c: {  	v33 =	vld.idx.msk [tilespmem:v33+s23+$0x0], $0xffff  }
0x17d: {  	v11 =	vld.idx.msk [tilespmem:v11+s23+$0x0], $0xffff  }
0x17e: {  	v12 =	vld.idx.msk [tilespmem:v56+s23+$0x0], $0xffff  }
0x17f: {  	v13 =	vld.idx.msk [tilespmem:v57+s23+$0x0], $0xffff  }
0x180: {  	v14 =	vld.idx.msk [tilespmem:v58+s23+$0x0], $0xffff  }
0x181: {  	v17 =	vld.idx.msk [tilespmem:v61+s23+$0x0], $0xffff  }
0x182: {  	v18 =	vld.idx.msk [tilespmem:v62+s23+$0x0], $0xffff  }
0x183: {  	v15 =	vld.idx.msk [tilespmem:v59+s23+$0x0], $0xffff  }
0x184: {  	v16 =	vld.idx.msk [tilespmem:v60+s23+$0x0], $0xffff  }
0x185: {  	v2 =	vmul.f32 v3, v2;
	v3 =	vld.idx.msk [tilespmem:v19+s23+$0x0], $0xffff  }
0x186: {  	s0 =	simm.s32 $0x4980;
	v5 =	vmul.f32 v6, v5;
	v6 =	vld.idx.msk [tilespmem:v20+s23+$0x0], $0xffff  }
0x187: {  	v63 =	vmul.f32 v18, v17;
	[tilespmem:s0+$0x70] =	vst v2;
	v2 =	vmul.f32 v8, v7;
	v7 =	vld.idx.msk [tilespmem:v21+s23+$0x0], $0xffff  }
0x188: {  	[tilespmem:s0+$0xFFFFFF90] =	vst v5;
	v8 =	vld.idx.msk [tilespmem:v22+s23+$0x0], $0xffff  }
0x189: {  	v5 =	vmul.f32 v10, v9;
	v9 =	vld.idx.msk [tilespmem:v24+s23+$0x0], $0xffff;
	[tilespmem:s0+$0xFFFFFFF0] =	vst v63  }
0x18a: {  	v10 =	vld.idx.msk [tilespmem:v25+s23+$0x0], $0xffff;
	[tilespmem:s0+$0xFFFFFFA0] =	vst v2;
	v2 =	vmul.f32 v4, v33  }
0x18b: {  	v4 =	vld.idx.msk [tilespmem:v23+s23+$0x0], $0xffff;
	[tilespmem:s0+$0xFFFFFFB0] =	vst v5;
	v5 =	vmul.f32 v12, v11  }
0x18c: {  	v11 =	vld.idx.msk [tilespmem:v26+s23+$0x0], $0xffff;
	[tilespmem:s0+$0xFFFFFF80] =	vst v2;
	v2 =	vmul.f32 v14, v13  }
0x18d: {  	v6 =	vmul.f32 v6, v3;
	v3 =	vld.idx.msk [tilespmem:v29+s23+$0x0], $0xffff;
	[tilespmem:s0+$0xFFFFFFC0] =	vst v5;
	v5 =	vmul.f32 v16, v15  }
0x18e: {  	[tilespmem:s0+$0xFFFFFFD0] =	vst v2;
	v2 =	vld.idx.msk [tilespmem:v27+s23+$0x0], $0xffff  }
0x18f: {  	v7 =	vmul.f32 v8, v7;
	[tilespmem:s0+$0xFFFFFFE0] =	vst v5;
	v5 =	vld.idx.msk [tilespmem:v28+s23+$0x0], $0xffff  }
0x190: {  	[tilespmem:s0+$0x0] =	vst v6;
	v6 =	vld.idx.msk [tilespmem:v30+s23+$0x0], $0xffff;
	v8 =	vmul.f32 v9, v4  }
0x191: {  	[tilespmem:s0+$0x10] =	vst v7;
	v4 =	vld.idx.msk [tilespmem:v31+s23+$0x0], $0xffff  }
0x192: {  	s14 =	smov.u32 s11;
	s2 =	simm.s32 $0x4280;
	s1 =	simm.s32 $0x0;
	v7 =	vld.idx.msk [tilespmem:v32+s23+$0x0], $0xffff;
	[tilespmem:s0+$0x20] =	vst v8;
	v8 =	vmul.f32 v11, v10  }
.LBB2_8:
0x193: {  	v9 =	vld [tilespmem:s2+$0x70];
	s14 =	sadd.s32 $0x100, s14  }
0x194: {  	s1 =	sadd.s32 $0x10, s1;
	v2 =	vmul.f32 v5, v2;
	v10 =	vld [tilespmem:s14+$0x70];
	[tilespmem:s0+$0x30] =	vst v8  }
0x195: {  	p0 =	slt.u32 s1, $0x70;
	v5 =	vld [tilespmem:s14+$0xFFFFFF80]  }
0x196: {  	v8 =	vld [tilespmem:s2+$0xFFFFFF90];
	[tilespmem:s0+$0x40] =	vst v2;
	v2 =	vmul.f32 v6, v3  }
0x197: {  	v3 =	vld [tilespmem:s14+$0xFFFFFF90]  }
0x198: {  	v6 =	vld [tilespmem:s2+$0xFFFFFFA0];
	[tilespmem:s0+$0x50] =	vst v2;
	v2 =	vmul.f32 v7, v4  }
0x199: {  	v4 =	vld [tilespmem:s14+$0xFFFFFFA0]  }
0x19a: {  	v7 =	vld [tilespmem:s2+$0xFFFFFFB0];
	[tilespmem:s0+$0x60] =	vst v2  }
0x19b: {  	v2 =	vld.idx.msk [tilespmem:v9+s23+$0x0], $0xffff  }
0x19c: {  	v9 =	vld.idx.msk [tilespmem:v10+s23+$0x0], $0xffff  }
0x19d: {  	v10 =	vld [tilespmem:s14+$0xFFFFFFB0]  }
0x19e: {  	v11 =	vld [tilespmem:s2+$0xFFFFFFC0]  }
0x19f: {  	v12 =	vld [tilespmem:s14+$0xFFFFFFC0]  }
0x1a0: {  	v13 =	vld [tilespmem:s2+$0xFFFFFFD0]  }
0x1a1: {  	v14 =	vld [tilespmem:s14+$0xFFFFFFD0]  }
0x1a2: {  	v2 =	vmul.f32 v9, v2;
	v15 =	vld [tilespmem:s2+$0xFFFFFFE0]  }
0x1a3: {  	s0 =	sadd.s32 $0x100, s0;
	v9 =	vld [tilespmem:s14+$0xFFFFFFE0]  }
0x1a4: {  	v16 =	vld [tilespmem:s2+$0xFFFFFFF0];
	[tilespmem:s0+$0x70] =	vst v2  }
0x1a5: {  	v2 =	vld [tilespmem:s14+$0xFFFFFFF0]  }
0x1a6: {  	v17 =	vld [tilespmem:s2+$0x0]  }
0x1a7: {  	v18 =	vld [tilespmem:s14+$0x0]  }
0x1a8: {  	v19 =	vld [tilespmem:s2+$0x10]  }
0x1a9: {  	v20 =	vld [tilespmem:s14+$0x10]  }
0x1aa: {  	v21 =	vld [tilespmem:s2+$0x20]  }
0x1ab: {  	v22 =	vld [tilespmem:s14+$0x20]  }
0x1ac: {  	v23 =	vld [tilespmem:s2+$0x30]  }
0x1ad: {  	v24 =	vld [tilespmem:s14+$0x30]  }
0x1ae: {  	v25 =	vld [tilespmem:s2+$0x40]  }
0x1af: {  	v26 =	vld [tilespmem:s14+$0x40]  }
0x1b0: {  	v27 =	vld [tilespmem:s2+$0x50]  }
0x1b1: {  	v28 =	vld [tilespmem:s14+$0x50]  }
0x1b2: {  	v29 =	vld [tilespmem:s2+$0x60]  }
0x1b3: {  	v30 =	vld [tilespmem:s14+$0x60]  }
0x1b4: {  	v31 =	vld [tilespmem:s2+$0xFFFFFF80]  }
0x1b5: {  	v5 =	vld.idx.msk [tilespmem:v5+s23+$0x0], $0xffff  }
0x1b6: {  	v8 =	vld.idx.msk [tilespmem:v8+s23+$0x0], $0xffff  }
0x1b7: {  	v3 =	vld.idx.msk [tilespmem:v3+s23+$0x0], $0xffff  }
0x1b8: {  	v6 =	vld.idx.msk [tilespmem:v6+s23+$0x0], $0xffff  }
0x1b9: {  	v4 =	vld.idx.msk [tilespmem:v4+s23+$0x0], $0xffff  }
0x1ba: {  	v7 =	vld.idx.msk [tilespmem:v7+s23+$0x0], $0xffff  }
0x1bb: {  	v10 =	vld.idx.msk [tilespmem:v10+s23+$0x0], $0xffff  }
0x1bc: {  	v31 =	vld.idx.msk [tilespmem:v31+s23+$0x0], $0xffff  }
0x1bd: {  	v3 =	vmul.f32 v3, v8;
	v8 =	vld.idx.msk [tilespmem:v11+s23+$0x0], $0xffff  }
0x1be: {  	v11 =	vld.idx.msk [tilespmem:v12+s23+$0x0], $0xffff  }
0x1bf: {  	[tilespmem:s0+$0xFFFFFF90] =	vst v3;
	v3 =	vmul.f32 v4, v6;
	v4 =	vld.idx.msk [tilespmem:v13+s23+$0x0], $0xffff  }
0x1c0: {  	v6 =	vld.idx.msk [tilespmem:v14+s23+$0x0], $0xffff  }
0x1c1: {  	[tilespmem:s0+$0xFFFFFFA0] =	vst v3;
	v3 =	vmul.f32 v10, v7;
	v7 =	vld.idx.msk [tilespmem:v15+s23+$0x0], $0xffff  }
0x1c2: {  	v5 =	vmul.f32 v5, v31;
	v9 =	vld.idx.msk [tilespmem:v9+s23+$0x0], $0xffff  }
0x1c3: {  	[tilespmem:s0+$0xFFFFFFB0] =	vst v3;
	v3 =	vld.idx.msk [tilespmem:v16+s23+$0x0], $0xffff  }
0x1c4: {  	[tilespmem:s0+$0xFFFFFF80] =	vst v5;
	v5 =	vmul.f32 v11, v8;
	v2 =	vld.idx.msk [tilespmem:v2+s23+$0x0], $0xffff  }
0x1c5: {  	v8 =	vld.idx.msk [tilespmem:v17+s23+$0x0], $0xffff  }
0x1c6: {  	v4 =	vmul.f32 v6, v4;
	[tilespmem:s0+$0xFFFFFFC0] =	vst v5;
	v5 =	vld.idx.msk [tilespmem:v18+s23+$0x0], $0xffff  }
0x1c7: {  	v6 =	vld.idx.msk [tilespmem:v19+s23+$0x0], $0xffff  }
0x1c8: {  	[tilespmem:s0+$0xFFFFFFD0] =	vst v4;
	v4 =	vmul.f32 v9, v7;
	v7 =	vld.idx.msk [tilespmem:v20+s23+$0x0], $0xffff  }
0x1c9: {  	v9 =	vld.idx.msk [tilespmem:v21+s23+$0x0], $0xffff  }
0x1ca: {  	v2 =	vmul.f32 v2, v3;
	[tilespmem:s0+$0xFFFFFFE0] =	vst v4;
	v4 =	vld.idx.msk [tilespmem:v22+s23+$0x0], $0xffff  }
0x1cb: {  	v10 =	vld.idx.msk [tilespmem:v23+s23+$0x0], $0xffff  }
0x1cc: {  	v3 =	vmul.f32 v5, v8;
	[tilespmem:s0+$0xFFFFFFF0] =	vst v2;
	v8 =	vld.idx.msk [tilespmem:v24+s23+$0x0], $0xffff  }
0x1cd: {  	v2 =	vld.idx.msk [tilespmem:v25+s23+$0x0], $0xffff  }
.Ltmp3:
0x1ce: {  	v6 =	vmul.f32 v7, v6;
	[tilespmem:s0+$0x0] =	vst v3;
	v5 =	vld.idx.msk [tilespmem:v26+s23+$0x0], $0xffff;
	(pc) =	sbr.rel @p0 .LBB2_8-.Ltmp3, $4  }
0x1cf: {  	v3 =	vld.idx.msk [tilespmem:v27+s23+$0x0], $0xffff  }
0x1d0: {  	v7 =	vmul.f32 v4, v9;
	[tilespmem:s0+$0x10] =	vst v6;
	v6 =	vld.idx.msk [tilespmem:v28+s23+$0x0], $0xffff  }
0x1d1: {  	v4 =	vld.idx.msk [tilespmem:v29+s23+$0x0], $0xffff  }
0x1d2: {  	s2 =	sadd.s32 $0x100, s2;
	v8 =	vmul.f32 v8, v10;
	[tilespmem:s0+$0x20] =	vst v7;
	v7 =	vld.idx.msk [tilespmem:v30+s23+$0x0], $0xffff  }
0x1d3: {  	_ =	sdelay $0x1  }
0x1d4: {  	v2 =	vmul.f32 v5, v2  }
0x1d5: {  	[tilespmem:s0+$0x30] =	vst v8;
	v3 =	vmul.f32 v6, v3  }
0x1d6: {  	s26 =	sadd.s32 $0x1, s26;
	[tilespmem:s0+$0x40] =	vst v2;
	v2 =	vmul.f32 v7, v4  }
0x1d7: {  	p0 =	sne.s32 s26, s10;
	[tilespmem:s0+$0x50] =	vst v3  }
.Ltmp4:
0x1d8: {  	s13 =	simm.s32 $0x0;
	s31 =	simm.s32 $0x4900;
	[tilespmem:s0+$0x60] =	vst v2;
	(pc) =	sbr.rel @p0 .LBB2_1-.Ltmp4, $4  }
0x1d9: {  	[hbm4b:s9+s13] =	stream.linear.scatter [tilespmem:s31], [sflag:$0x3], $0x800, $0x38;
	[tilespmem:$0x6200] =	vst v63  }
0x1da: {  	_ =	swait.ge [sflag:s18], $0x800  }
0x1db: {  	[sflag:s18] =	ssyncset.done $0x0  }
0x1dc: {  	[sflag:s18] =	ssyncadd.s32 $0xFFFFF800  }
0x1dd: {  	_ =	sfence.sel $0x180000  }
0x1de: {  	[bflag:$0x0] =	sbarrier.arrive $0xFFFF  }
0x1df: {  	_ =	strace $0x90000047  }
0x1e0: {  	s0 =	stileid.u32;
	[bflag:$0x2] =	sbarrier.arrive $0xFFFF  }
0x1e1: {  	p0 =	sne.s32 s0, $0x0;
	s0 =	rddreg [dreg:$0x4]  }
0x1e2: {  	s0 =	sadd.s32 @!p0 $0x100000, s0  }
0x1e3: {  	[sflag:s0] =	ssyncadd.tile.s32 @!p0 $0x1;
	_ =	shalt  }
.Lfunc_end2:
_tile_overlayer_lowered:
.L_overlay_start_2:
0x1e4: {  	(tag) =	ssettag $0x2  }
0x1e5: {  	s0 =	rddreg [dreg:$0x0];
	s2 =	stileid.u32  }
0x1e6: {  	s1 =	rddreg [dreg:$0x1];
	p0 =	sne.s32 s2, $0x0  }
0x1e7: {  	s3 =	rddreg [dreg:$0x2];
	[bflag:$0x3] =	sbarrier.arrive $0xFFFF;
	s2 =	simm.s32 @!p0 $0x1C03  }
0x1e8: {  	[timem:s3], [sflag:s2] =	dma.local @!p0 [hbm:s0], s1  }
0x1e9: {  	s0 =	simm.s32 @!p0 $0x3  }
0x1ea: {  	_ =	swait.ge @!p0 [sflag:s0], s1  }
0x1eb: {  	s1 =	ssub.s32 @!p0 $0x0, s1;
	[sflag:s0] =	ssyncset.done @!p0 $0x0  }
0x1ec: {  	[sflag:s0] =	ssyncadd.s32 @!p0 s1  }
0x1ed: {  	[bflag:$0x3] =	sbarrier.arrive $0xFFFF  }
0x1ee: {  	_ =	shalt  }

</sc_bundles>
